<compile_context>
chip_gen: v7x
topology: tpu7x:2x2x1
jax: 0.10.2.dev20260603
libtpu: 0.0.44.dev20260713+nightly
codegen_flags: <defaults>
</compile_context>

<pallas_src>
import functools

import jax
import jax.numpy as jnp
from jax import lax
from jax.experimental import pallas as pl
from jax.experimental.pallas import tpu as pltpu
from jax.experimental.pallas import tpu_sc as plsc

_NC, _NS = 2, 16
_NW = _NC * _NS
_ROWS = 16
_L = 16


def kernel(x, pe_weight):
    B, S, D = x.shape
    rows_per_w = S // _NW
    chunks = rows_per_w // _ROWS
    T = chunks // 2

    xf = x.reshape(B * S, D)

    mesh = plsc.VectorSubcoreMesh(
        core_axis_name="c", subcore_axis_name="s",
        num_cores=_NC, num_subcores=_NS)

    @functools.partial(
        pl.kernel,
        out_type=jax.ShapeDtypeStruct((B * S, D), jnp.float32),
        mesh=mesh,
        compiler_params=pltpu.CompilerParams(use_tc_tiling_on_sc=True),
        scratch_types=[
            [pltpu.VMEM((_ROWS, D), jnp.float32) for _ in range(2)],
            [pltpu.VMEM((_ROWS, D), jnp.float32) for _ in range(4)],
            [pltpu.SemaphoreType.DMA for _ in range(2)],
            [pltpu.SemaphoreType.DMA for _ in range(4)],
            [pltpu.SemaphoreType.DMA for _ in range(4)],
        ],
    )
    def run(x_hbm, pe_hbm, out_hbm, pebufs, xbufs, pe_sems, xin_sems, out_sems):
        w = lax.axis_index("s") * _NC + lax.axis_index("c")
        seq_base = w * rows_per_w

        def pe_row(c):
            return seq_base + c * _ROWS

        def x_row(c, b):
            return b * S + pe_row(c)

        def issue_pe(c, k):
            pltpu.async_copy(pe_hbm.at[pl.ds(pe_row(c), _ROWS), :], pebufs[k],
                             pe_sems[k])

        def wait_pe(c, k):
            pltpu.make_async_copy(pe_hbm.at[pl.ds(pe_row(c), _ROWS), :],
                                  pebufs[k], pe_sems[k]).wait()

        def issue_xin(c, b, k):
            pltpu.async_copy(x_hbm.at[pl.ds(x_row(c, b), _ROWS), :], xbufs[k],
                             xin_sems[k])

        def wait_xin(c, b, k):
            pltpu.make_async_copy(x_hbm.at[pl.ds(x_row(c, b), _ROWS), :],
                                  xbufs[k], xin_sems[k]).wait()

        def issue_out(c, b, k):
            pltpu.async_copy(xbufs[k], out_hbm.at[pl.ds(x_row(c, b), _ROWS), :],
                             out_sems[k])

        def wait_out(c, b, k):
            pltpu.make_async_copy(xbufs[k],
                                  out_hbm.at[pl.ds(x_row(c, b), _ROWS), :],
                                  out_sems[k]).wait()

        def add_stage(k, pk):
            def row_body(r, carry):
                @plsc.parallel_loop(0, D // _L, unroll=8)
                def add_body(j):
                    plsc.addupdate(xbufs[k].at[r, pl.ds(j * _L, _L)],
                                   pebufs[pk][r, pl.ds(j * _L, _L)])
                return carry
            lax.fori_loop(0, _ROWS, row_body, 0)

        issue_pe(0, 0)
        issue_xin(0, 0, 0)
        issue_xin(0, 1, 1)

        def body(t, carry):
            for cc in range(2):
                c = 2 * t + cc
                for b in range(4):
                    if b == 0:
                        wait_pe(c, cc)
                        if cc == 0:
                            issue_pe(c + 1, 1)
                        else:
                            @pl.when(t < T - 1)
                            def _():
                                issue_pe(c + 1, 0)
                    wait_xin(c, b, b)
                    add_stage(b, cc)
                    issue_out(c, b, b)
                    kb = (b + 2) % 4
                    cw = c - 1 if b < 2 else c
                    if cc == 0 and b < 2:
                        @pl.when(t >= 1)
                        def _():
                            wait_out(cw, kb, kb)
                    else:
                        wait_out(cw, kb, kb)
                    ci = c + 1 if b >= 2 else c
                    if cc == 1 and b >= 2:
                        @pl.when(t < T - 1)
                        def _():
                            issue_xin(ci, kb, kb)
                    else:
                        issue_xin(ci, kb, kb)
            return carry

        lax.fori_loop(0, T, body, 0)

        for b in range(2, 4):
            wait_out(chunks - 1, b, b)

    return run(xf, pe_weight).reshape(B, S, D)

# --- scband reference (transcript-rebuilt; emitter-appended) ---
"""Pipeline reference for scband-learned-positional-embedding-32650341384454 (READ-ONLY COPY).

The authoritative reference and input builder live on the scoring server;
editing this copy changes nothing except your own understanding.
"""

import jax, jax.numpy as jnp
import numpy as np

MAX_LEN = 8192
D_MODEL = 1024
BATCH = 4
SEQ = 8192

def setup_inputs(seed: int = 0) -> dict:
    key = jax.random.key(seed)
    k1, k2 = jax.random.split(key)
    x = jax.random.normal(k1, (BATCH, SEQ, D_MODEL), dtype=jnp.float32)
    # nn.Embedding default init: N(0, 1)
    pe_weight = jax.random.normal(k2, (MAX_LEN, D_MODEL), dtype=jnp.float32)
    return {"x": x, "pe_weight": pe_weight}

def reference(x, pe_weight):
    seq_len = x.shape[1]
    positions = jnp.arange(0, seq_len, dtype=jnp.int64 if jax.config.jax_enable_x64 else jnp.int32)[None, :]
    pos_embed = jnp.take(pe_weight, positions, axis=0)  # [1, S, d_model]
    return x + pos_embed

if __name__ == "__main__":
    import jax
    _d = setup_inputs()
    print(jax.jit(kernel)(*tuple(_d.values())))

</pallas_src>

<mosaic_0001>
#map = affine_map<(d0, d1) -> (0, 0)>
module attributes {stable_mosaic.version = 14 : i64} {
  func.func @run(%arg0: i32, %arg1: i32, %arg2: memref<32768x1024xf32, #tpu.memory_space<hbm>>, %arg3: memref<8192x1024xf32, #tpu.memory_space<hbm>>, %arg4: memref<32768x1024xf32, #tpu.memory_space<hbm>>, %arg5: memref<16x1024xf32, #tpu.memory_space<vmem>>, %arg6: memref<16x1024xf32, #tpu.memory_space<vmem>>, %arg7: memref<16x1024xf32, #tpu.memory_space<vmem>>, %arg8: memref<16x1024xf32, #tpu.memory_space<vmem>>, %arg9: memref<16x1024xf32, #tpu.memory_space<vmem>>, %arg10: memref<16x1024xf32, #tpu.memory_space<vmem>>, %arg11: memref<!tpu.dma_semaphore, #tpu.memory_space<semaphore_mem>>, %arg12: memref<!tpu.dma_semaphore, #tpu.memory_space<semaphore_mem>>, %arg13: memref<!tpu.dma_semaphore, #tpu.memory_space<semaphore_mem>>, %arg14: memref<!tpu.dma_semaphore, #tpu.memory_space<semaphore_mem>>, %arg15: memref<!tpu.dma_semaphore, #tpu.memory_space<semaphore_mem>>, %arg16: memref<!tpu.dma_semaphore, #tpu.memory_space<semaphore_mem>>, %arg17: memref<!tpu.dma_semaphore, #tpu.memory_space<semaphore_mem>>, %arg18: memref<!tpu.dma_semaphore, #tpu.memory_space<semaphore_mem>>, %arg19: memref<!tpu.dma_semaphore, #tpu.memory_space<semaphore_mem>>, %arg20: memref<!tpu.dma_semaphore, #tpu.memory_space<semaphore_mem>>) attributes {dimension_semantics = [#tpu.dimension_semantics<core_parallel>, #tpu.dimension_semantics<subcore_parallel>], iteration_bounds = array<i64: 2, 16>, scalar_prefetch = 0 : i64, scratch_operands = 16 : i64, tpu.core_type = #tpu.core_type<sc_vector_subcore>, window_params = [{transform_indices = #map}, {transform_indices = #map}, {transform_indices = #map}]} {
    %mul3A = arith.constant 2 : i32
    %mul3A_0 = arith.muli %arg1, %mul3A : i32
    %add3A = arith.addi %mul3A_0, %arg0 : i32
    %mul3A_1 = arith.constant 256 : i32
    %mul3A_2 = arith.muli %add3A, %mul3A_1 : i32
    %add3A_3 = arith.constant 0 : i32
    %add3A_4 = arith.addi %mul3A_2, %add3A_3 : i32
    %dma_start3A = arith.constant 0 : i32
    %dma_start3A_5 = tpu.memref_slice %arg3[%add3A_4, %dma_start3A] : memref<8192x1024xf32, #tpu.memory_space<hbm>> -> memref<16x1024xf32, #tpu.memory_space<hbm>>
    %dma_start3A_6 = arith.constant 0 : i32
    %dma_start3A_7 = tpu.memref_slice %arg3[%add3A_4, %dma_start3A_6] : memref<8192x1024xf32, #tpu.memory_space<hbm>> -> memref<16x1024xf32, #tpu.memory_space<hbm>>
    tpu.enqueue_dma source(%dma_start3A_7 : memref<16x1024xf32, #tpu.memory_space<hbm>>) target(%arg5 : memref<16x1024xf32, #tpu.memory_space<vmem>>) target_semaphore(%arg11 : memref<!tpu.dma_semaphore, #tpu.memory_space<semaphore_mem>>)
    %add3A_8 = arith.constant 0 : i32
    %add3A_9 = arith.addi %mul3A_2, %add3A_8 : i32
    %add3A_10 = arith.constant 0 : i32
    %add3A_11 = arith.addi %add3A_10, %add3A_9 : i32
    %dma_start3A_12 = arith.constant 0 : i32
    %dma_start3A_13 = tpu.memref_slice %arg2[%add3A_11, %dma_start3A_12] : memref<32768x1024xf32, #tpu.memory_space<hbm>> -> memref<16x1024xf32, #tpu.memory_space<hbm>>
    %dma_start3A_14 = arith.constant 0 : i32
    %dma_start3A_15 = tpu.memref_slice %arg2[%add3A_11, %dma_start3A_14] : memref<32768x1024xf32, #tpu.memory_space<hbm>> -> memref<16x1024xf32, #tpu.memory_space<hbm>>
    tpu.enqueue_dma source(%dma_start3A_15 : memref<16x1024xf32, #tpu.memory_space<hbm>>) target(%arg7 : memref<16x1024xf32, #tpu.memory_space<vmem>>) target_semaphore(%arg13 : memref<!tpu.dma_semaphore, #tpu.memory_space<semaphore_mem>>)
    %add3A_16 = arith.constant 0 : i32
    %add3A_17 = arith.addi %mul3A_2, %add3A_16 : i32
    %add3A_18 = arith.constant 8192 : i32
    %add3A_19 = arith.addi %add3A_18, %add3A_17 : i32
    %dma_start3A_20 = arith.constant 0 : i32
    %dma_start3A_21 = tpu.memref_slice %arg2[%add3A_19, %dma_start3A_20] : memref<32768x1024xf32, #tpu.memory_space<hbm>> -> memref<16x1024xf32, #tpu.memory_space<hbm>>
    %dma_start3A_22 = arith.constant 0 : i32
    %dma_start3A_23 = tpu.memref_slice %arg2[%add3A_19, %dma_start3A_22] : memref<32768x1024xf32, #tpu.memory_space<hbm>> -> memref<16x1024xf32, #tpu.memory_space<hbm>>
    tpu.enqueue_dma source(%dma_start3A_23 : memref<16x1024xf32, #tpu.memory_space<hbm>>) target(%arg8 : memref<16x1024xf32, #tpu.memory_space<vmem>>) target_semaphore(%arg14 : memref<!tpu.dma_semaphore, #tpu.memory_space<semaphore_mem>>)
    %scan3A = arith.constant 0 : i32
    %scan3A_24 = arith.constant 0 : i32
    %scan3A_25 = arith.constant 8 : i32
    %scan3A_26 = arith.addi %scan3A_24, %scan3A_25 : i32
    %scan3A_27 = arith.constant 1 : i32
    scf.for %scan3A_44 = %scan3A_24 to %scan3A_26 step %scan3A_27  : i32 {
      %mul3A_45 = arith.constant 2 : i32
      %mul3A_46 = arith.muli %mul3A_45, %scan3A_44 : i32
      %add3A_47 = arith.constant 0 : i32
      %add3A_48 = arith.addi %mul3A_46, %add3A_47 : i32
      %mul3A_49 = arith.constant 16 : i32
      %mul3A_50 = arith.muli %add3A_48, %mul3A_49 : i32
      %add3A_51 = arith.addi %mul3A_2, %mul3A_50 : i32
      %dma_wait3A_52 = arith.constant 0 : i32
      %dma_wait3A_53 = tpu.memref_slice %arg3[%add3A_51, %dma_wait3A_52] : memref<8192x1024xf32, #tpu.memory_space<hbm>> -> memref<16x1024xf32, #tpu.memory_space<hbm>>
      %dma_wait3A_54 = arith.constant 0 : i32
      %dma_wait3A_55 = tpu.memref_slice %arg3[%add3A_51, %dma_wait3A_54] : memref<8192x1024xf32, #tpu.memory_space<hbm>> -> memref<16x1024xf32, #tpu.memory_space<hbm>>
      tpu.wait_dma2 semaphore(%arg11 : memref<!tpu.dma_semaphore, #tpu.memory_space<semaphore_mem>>) src(%dma_wait3A_55 : memref<16x1024xf32, #tpu.memory_space<hbm>>) dst(%arg5 : memref<16x1024xf32, #tpu.memory_space<vmem>>)
      %add3A_56 = arith.constant 1 : i32
      %add3A_57 = arith.addi %add3A_48, %add3A_56 : i32
      %mul3A_58 = arith.constant 16 : i32
      %mul3A_59 = arith.muli %add3A_57, %mul3A_58 : i32
      %add3A_60 = arith.addi %mul3A_2, %mul3A_59 : i32
      %dma_start3A_61 = arith.constant 0 : i32
      %dma_start3A_62 = tpu.memref_slice %arg3[%add3A_60, %dma_start3A_61] : memref<8192x1024xf32, #tpu.memory_space<hbm>> -> memref<16x1024xf32, #tpu.memory_space<hbm>>
      %dma_start3A_63 = arith.constant 0 : i32
      %dma_start3A_64 = tpu.memref_slice %arg3[%add3A_60, %dma_start3A_63] : memref<8192x1024xf32, #tpu.memory_space<hbm>> -> memref<16x1024xf32, #tpu.memory_space<hbm>>
      tpu.enqueue_dma source(%dma_start3A_64 : memref<16x1024xf32, #tpu.memory_space<hbm>>) target(%arg6 : memref<16x1024xf32, #tpu.memory_space<vmem>>) target_semaphore(%arg12 : memref<!tpu.dma_semaphore, #tpu.memory_space<semaphore_mem>>)
      %mul3A_65 = arith.constant 16 : i32
      %mul3A_66 = arith.muli %add3A_48, %mul3A_65 : i32
      %add3A_67 = arith.addi %mul3A_2, %mul3A_66 : i32
      %add3A_68 = arith.constant 0 : i32
      %add3A_69 = arith.addi %add3A_68, %add3A_67 : i32
      %dma_wait3A_70 = arith.constant 0 : i32
      %dma_wait3A_71 = tpu.memref_slice %arg2[%add3A_69, %dma_wait3A_70] : memref<32768x1024xf32, #tpu.memory_space<hbm>> -> memref<16x1024xf32, #tpu.memory_space<hbm>>
      %dma_wait3A_72 = arith.constant 0 : i32
      %dma_wait3A_73 = tpu.memref_slice %arg2[%add3A_69, %dma_wait3A_72] : memref<32768x1024xf32, #tpu.memory_space<hbm>> -> memref<16x1024xf32, #tpu.memory_space<hbm>>
      tpu.wait_dma2 semaphore(%arg13 : memref<!tpu.dma_semaphore, #tpu.memory_space<semaphore_mem>>) src(%dma_wait3A_73 : memref<16x1024xf32, #tpu.memory_space<hbm>>) dst(%arg7 : memref<16x1024xf32, #tpu.memory_space<vmem>>)
      %scan3A_74 = arith.constant 0 : i32
      %scan3A_75 = arith.constant 0 : i32
      %scan3A_76 = arith.constant 16 : i32
      %scan3A_77 = arith.addi %scan3A_75, %scan3A_76 : i32
      %scan3A_78 = arith.constant 1 : i32
      scf.for %scan3A_412 = %scan3A_75 to %scan3A_77 step %scan3A_78  : i32 {
        %parallel_loop3A = arith.constant 0 : i32
        %parallel_loop3A_413 = arith.constant 64 : i32
        %parallel_loop3A_414 = arith.constant 1 : i32
        scf.for %parallel_loop3A_415 = %parallel_loop3A to %parallel_loop3A_413 step %parallel_loop3A_414  : i32 {
          %parallel_loop3A_416 = arith.constant 16 : i32
          %parallel_loop3A_417 = arith.muli %parallel_loop3A_415, %parallel_loop3A_416 : i32
          %parallel_loop3A_418 = arith.constant 16 : i32
          %parallel_loop3A_419 = arith.muli %parallel_loop3A_415, %parallel_loop3A_418 : i32
          %parallel_loop3A_420 = arith.index_cast %scan3A_412 : i32 to index
          %parallel_loop3A_421 = arith.index_cast %parallel_loop3A_419 : i32 to index
          %parallel_loop3A_422 = tpu.vector_load %arg5[%parallel_loop3A_420, %parallel_loop3A_421] {strides = array<i32>} : memref<16x1024xf32, #tpu.memory_space<vmem>>, vector<1x16xf32>,
          %parallel_loop3A_423 = vector.shape_cast %parallel_loop3A_422 : vector<1x16xf32> to vector<16xf32>
          %parallel_loop3A_424 = arith.index_cast %scan3A_412 : i32 to index
          %parallel_loop3A_425 = arith.index_cast %parallel_loop3A_417 : i32 to index
          %parallel_loop3A_426 = tpu.vector_load %arg7[%parallel_loop3A_424, %parallel_loop3A_425] {strides = array<i32>} : memref<16x1024xf32, #tpu.memory_space<vmem>>, vector<1x16xf32>,
          %parallel_loop3A_427 = vector.shape_cast %parallel_loop3A_426 : vector<1x16xf32> to vector<16xf32>
          %parallel_loop3A_428 = vector.shape_cast %parallel_loop3A_423 : vector<16xf32> to vector<1x16xf32>
          tpu.vector_store %arg7[%parallel_loop3A_424, %parallel_loop3A_425], %parallel_loop3A_428 {add = true, strides = array<i32>} : memref<16x1024xf32, #tpu.memory_space<vmem>>, vector<1x16xf32>,
        } {sc.loop_unroll_factor = 8 : i64, sc.parallel_access}
      }
      %scan3A_79 = arith.constant 16 : i32
      %mul3A_80 = arith.constant 16 : i32
      %mul3A_81 = arith.muli %add3A_48, %mul3A_80 : i32
      %add3A_82 = arith.addi %mul3A_2, %mul3A_81 : i32
      %add3A_83 = arith.constant 0 : i32
      %add3A_84 = arith.addi %add3A_83, %add3A_82 : i32
      %dma_start3A_85 = arith.constant 0 : i32
      %dma_start3A_86 = tpu.memref_slice %arg4[%add3A_84, %dma_start3A_85] : memref<32768x1024xf32, #tpu.memory_space<hbm>> -> memref<16x1024xf32, #tpu.memory_space<hbm>>
      %dma_start3A_87 = arith.constant 0 : i32
      %dma_start3A_88 = tpu.memref_slice %arg4[%add3A_84, %dma_start3A_87] : memref<32768x1024xf32, #tpu.memory_space<hbm>> -> memref<16x1024xf32, #tpu.memory_space<hbm>>
      tpu.enqueue_dma source(%arg7 : memref<16x1024xf32, #tpu.memory_space<vmem>>) target(%dma_start3A_88 : memref<16x1024xf32, #tpu.memory_space<hbm>>) target_semaphore(%arg17 : memref<!tpu.dma_semaphore, #tpu.memory_space<semaphore_mem>>)
      %sub3A = arith.constant 1 : i32
      %sub3A_89 = arith.subi %add3A_48, %sub3A : i32
      %ge3A = arith.constant 1 : i32
      %ge3A_90 = arith.cmpi sge, %scan3A_44, %ge3A : i32
      %convert_element_type3A = arith.extui %ge3A_90 : i1 to i32
      %cond3A = arith.constant 0 : i32
      %cond3A_91 = arith.cmpi ne, %convert_element_type3A, %cond3A : i32
      scf.if %cond3A_91 {
        %mul3A_412 = arith.constant 16 : i32
        %mul3A_413 = arith.muli %sub3A_89, %mul3A_412 : i32
        %add3A_414 = arith.addi %mul3A_2, %mul3A_413 : i32
        %add3A_415 = arith.constant 16384 : i32
        %add3A_416 = arith.addi %add3A_415, %add3A_414 : i32
        %dma_wait3A_417 = arith.constant 0 : i32
        %dma_wait3A_418 = tpu.memref_slice %arg4[%add3A_416, %dma_wait3A_417] : memref<32768x1024xf32, #tpu.memory_space<hbm>> -> memref<16x1024xf32, #tpu.memory_space<hbm>>
        %dma_wait3A_419 = arith.constant 0 : i32
        %dma_wait3A_420 = tpu.memref_slice %arg4[%add3A_416, %dma_wait3A_419] : memref<32768x1024xf32, #tpu.memory_space<hbm>> -> memref<16x1024xf32, #tpu.memory_space<hbm>>
        tpu.wait_dma2 semaphore(%arg19 : memref<!tpu.dma_semaphore, #tpu.memory_space<semaphore_mem>>) src(%arg9 : memref<16x1024xf32, #tpu.memory_space<vmem>>) dst(%dma_wait3A_420 : memref<16x1024xf32, #tpu.memory_space<hbm>>)
      } else {
      }
      %mul3A_92 = arith.constant 16 : i32
      %mul3A_93 = arith.muli %add3A_48, %mul3A_92 : i32
      %add3A_94 = arith.addi %mul3A_2, %mul3A_93 : i32
      %add3A_95 = arith.constant 16384 : i32
      %add3A_96 = arith.addi %add3A_95, %add3A_94 : i32
      %dma_start3A_97 = arith.constant 0 : i32
      %dma_start3A_98 = tpu.memref_slice %arg2[%add3A_96, %dma_start3A_97] : memref<32768x1024xf32, #tpu.memory_space<hbm>> -> memref<16x1024xf32, #tpu.memory_space<hbm>>
      %dma_start3A_99 = arith.constant 0 : i32
      %dma_start3A_100 = tpu.memref_slice %arg2[%add3A_96, %dma_start3A_99] : memref<32768x1024xf32, #tpu.memory_space<hbm>> -> memref<16x1024xf32, #tpu.memory_space<hbm>>
      tpu.enqueue_dma source(%dma_start3A_100 : memref<16x1024xf32, #tpu.memory_space<hbm>>) target(%arg9 : memref<16x1024xf32, #tpu.memory_space<vmem>>) target_semaphore(%arg15 : memref<!tpu.dma_semaphore, #tpu.memory_space<semaphore_mem>>)
      %mul3A_101 = arith.constant 16 : i32
      %mul3A_102 = arith.muli %add3A_48, %mul3A_101 : i32
      %add3A_103 = arith.addi %mul3A_2, %mul3A_102 : i32
      %add3A_104 = arith.constant 8192 : i32
      %add3A_105 = arith.addi %add3A_104, %add3A_103 : i32
      %dma_wait3A_106 = arith.constant 0 : i32
      %dma_wait3A_107 = tpu.memref_slice %arg2[%add3A_105, %dma_wait3A_106] : memref<32768x1024xf32, #tpu.memory_space<hbm>> -> memref<16x1024xf32, #tpu.memory_space<hbm>>
      %dma_wait3A_108 = arith.constant 0 : i32
      %dma_wait3A_109 = tpu.memref_slice %arg2[%add3A_105, %dma_wait3A_108] : memref<32768x1024xf32, #tpu.memory_space<hbm>> -> memref<16x1024xf32, #tpu.memory_space<hbm>>
      tpu.wait_dma2 semaphore(%arg14 : memref<!tpu.dma_semaphore, #tpu.memory_space<semaphore_mem>>) src(%dma_wait3A_109 : memref<16x1024xf32, #tpu.memory_space<hbm>>) dst(%arg8 : memref<16x1024xf32, #tpu.memory_space<vmem>>)
      %scan3A_110 = arith.constant 0 : i32
      %scan3A_111 = arith.constant 0 : i32
      %scan3A_112 = arith.constant 16 : i32
      %scan3A_113 = arith.addi %scan3A_111, %scan3A_112 : i32
      %scan3A_114 = arith.constant 1 : i32
      scf.for %scan3A_412 = %scan3A_111 to %scan3A_113 step %scan3A_114  : i32 {
        %parallel_loop3A = arith.constant 0 : i32
        %parallel_loop3A_413 = arith.constant 64 : i32
        %parallel_loop3A_414 = arith.constant 1 : i32
        scf.for %parallel_loop3A_415 = %parallel_loop3A to %parallel_loop3A_413 step %parallel_loop3A_414  : i32 {
          %parallel_loop3A_416 = arith.constant 16 : i32
          %parallel_loop3A_417 = arith.muli %parallel_loop3A_415, %parallel_loop3A_416 : i32
          %parallel_loop3A_418 = arith.constant 16 : i32
          %parallel_loop3A_419 = arith.muli %parallel_loop3A_415, %parallel_loop3A_418 : i32
          %parallel_loop3A_420 = arith.index_cast %scan3A_412 : i32 to index
          %parallel_loop3A_421 = arith.index_cast %parallel_loop3A_419 : i32 to index
          %parallel_loop3A_422 = tpu.vector_load %arg5[%parallel_loop3A_420, %parallel_loop3A_421] {strides = array<i32>} : memref<16x1024xf32, #tpu.memory_space<vmem>>, vector<1x16xf32>,
          %parallel_loop3A_423 = vector.shape_cast %parallel_loop3A_422 : vector<1x16xf32> to vector<16xf32>
          %parallel_loop3A_424 = arith.index_cast %scan3A_412 : i32 to index
          %parallel_loop3A_425 = arith.index_cast %parallel_loop3A_417 : i32 to index
          %parallel_loop3A_426 = tpu.vector_load %arg8[%parallel_loop3A_424, %parallel_loop3A_425] {strides = array<i32>} : memref<16x1024xf32, #tpu.memory_space<vmem>>, vector<1x16xf32>,
          %parallel_loop3A_427 = vector.shape_cast %parallel_loop3A_426 : vector<1x16xf32> to vector<16xf32>
          %parallel_loop3A_428 = vector.shape_cast %parallel_loop3A_423 : vector<16xf32> to vector<1x16xf32>
          tpu.vector_store %arg8[%parallel_loop3A_424, %parallel_loop3A_425], %parallel_loop3A_428 {add = true, strides = array<i32>} : memref<16x1024xf32, #tpu.memory_space<vmem>>, vector<1x16xf32>,
        } {sc.loop_unroll_factor = 8 : i64, sc.parallel_access}
      }
      %scan3A_115 = arith.constant 16 : i32
      %mul3A_116 = arith.constant 16 : i32
      %mul3A_117 = arith.muli %add3A_48, %mul3A_116 : i32
      %add3A_118 = arith.addi %mul3A_2, %mul3A_117 : i32
      %add3A_119 = arith.constant 8192 : i32
      %add3A_120 = arith.addi %add3A_119, %add3A_118 : i32
      %dma_start3A_121 = arith.constant 0 : i32
      %dma_start3A_122 = tpu.memref_slice %arg4[%add3A_120, %dma_start3A_121] : memref<32768x1024xf32, #tpu.memory_space<hbm>> -> memref<16x1024xf32, #tpu.memory_space<hbm>>
      %dma_start3A_123 = arith.constant 0 : i32
      %dma_start3A_124 = tpu.memref_slice %arg4[%add3A_120, %dma_start3A_123] : memref<32768x1024xf32, #tpu.memory_space<hbm>> -> memref<16x1024xf32, #tpu.memory_space<hbm>>
      tpu.enqueue_dma source(%arg8 : memref<16x1024xf32, #tpu.memory_space<vmem>>) target(%dma_start3A_124 : memref<16x1024xf32, #tpu.memory_space<hbm>>) target_semaphore(%arg18 : memref<!tpu.dma_semaphore, #tpu.memory_space<semaphore_mem>>)
      %sub3A_125 = arith.constant 1 : i32
      %sub3A_126 = arith.subi %add3A_48, %sub3A_125 : i32
      %ge3A_127 = arith.constant 1 : i32
      %ge3A_128 = arith.cmpi sge, %scan3A_44, %ge3A_127 : i32
      %convert_element_type3A_129 = arith.extui %ge3A_128 : i1 to i32
      %cond3A_130 = arith.constant 0 : i32
      %cond3A_131 = arith.cmpi ne, %convert_element_type3A_129, %cond3A_130 : i32
      scf.if %cond3A_131 {
        %mul3A_412 = arith.constant 16 : i32
        %mul3A_413 = arith.muli %sub3A_126, %mul3A_412 : i32
        %add3A_414 = arith.addi %mul3A_2, %mul3A_413 : i32
        %add3A_415 = arith.constant 24576 : i32
        %add3A_416 = arith.addi %add3A_415, %add3A_414 : i32
        %dma_wait3A_417 = arith.constant 0 : i32
        %dma_wait3A_418 = tpu.memref_slice %arg4[%add3A_416, %dma_wait3A_417] : memref<32768x1024xf32, #tpu.memory_space<hbm>> -> memref<16x1024xf32, #tpu.memory_space<hbm>>
        %dma_wait3A_419 = arith.constant 0 : i32
        %dma_wait3A_420 = tpu.memref_slice %arg4[%add3A_416, %dma_wait3A_419] : memref<32768x1024xf32, #tpu.memory_space<hbm>> -> memref<16x1024xf32, #tpu.memory_space<hbm>>
        tpu.wait_dma2 semaphore(%arg20 : memref<!tpu.dma_semaphore, #tpu.memory_space<semaphore_mem>>) src(%arg10 : memref<16x1024xf32, #tpu.memory_space<vmem>>) dst(%dma_wait3A_420 : memref<16x1024xf32, #tpu.memory_space<hbm>>)
      } else {
      }
      %mul3A_132 = arith.constant 16 : i32
      %mul3A_133 = arith.muli %add3A_48, %mul3A_132 : i32
      %add3A_134 = arith.addi %mul3A_2, %mul3A_133 : i32
      %add3A_135 = arith.constant 24576 : i32
      %add3A_136 = arith.addi %add3A_135, %add3A_134 : i32
      %dma_start3A_137 = arith.constant 0 : i32
      %dma_start3A_138 = tpu.memref_slice %arg2[%add3A_136, %dma_start3A_137] : memref<32768x1024xf32, #tpu.memory_space<hbm>> -> memref<16x1024xf32, #tpu.memory_space<hbm>>
      %dma_start3A_139 = arith.constant 0 : i32
      %dma_start3A_140 = tpu.memref_slice %arg2[%add3A_136, %dma_start3A_139] : memref<32768x1024xf32, #tpu.memory_space<hbm>> -> memref<16x1024xf32, #tpu.memory_space<hbm>>
      tpu.enqueue_dma source(%dma_start3A_140 : memref<16x1024xf32, #tpu.memory_space<hbm>>) target(%arg10 : memref<16x1024xf32, #tpu.memory_space<vmem>>) target_semaphore(%arg16 : memref<!tpu.dma_semaphore, #tpu.memory_space<semaphore_mem>>)
      %mul3A_141 = arith.constant 16 : i32
      %mul3A_142 = arith.muli %add3A_48, %mul3A_141 : i32
      %add3A_143 = arith.addi %mul3A_2, %mul3A_142 : i32
      %add3A_144 = arith.constant 16384 : i32
      %add3A_145 = arith.addi %add3A_144, %add3A_143 : i32
      %dma_wait3A_146 = arith.constant 0 : i32
      %dma_wait3A_147 = tpu.memref_slice %arg2[%add3A_145, %dma_wait3A_146] : memref<32768x1024xf32, #tpu.memory_space<hbm>> -> memref<16x1024xf32, #tpu.memory_space<hbm>>
      %dma_wait3A_148 = arith.constant 0 : i32
      %dma_wait3A_149 = tpu.memref_slice %arg2[%add3A_145, %dma_wait3A_148] : memref<32768x1024xf32, #tpu.memory_space<hbm>> -> memref<16x1024xf32, #tpu.memory_space<hbm>>
      tpu.wait_dma2 semaphore(%arg15 : memref<!tpu.dma_semaphore, #tpu.memory_space<semaphore_mem>>) src(%dma_wait3A_149 : memref<16x1024xf32, #tpu.memory_space<hbm>>) dst(%arg9 : memref<16x1024xf32, #tpu.memory_space<vmem>>)
      %scan3A_150 = arith.constant 0 : i32
      %scan3A_151 = arith.constant 0 : i32
      %scan3A_152 = arith.constant 16 : i32
      %scan3A_153 = arith.addi %scan3A_151, %scan3A_152 : i32
      %scan3A_154 = arith.constant 1 : i32
      scf.for %scan3A_412 = %scan3A_151 to %scan3A_153 step %scan3A_154  : i32 {
        %parallel_loop3A = arith.constant 0 : i32
        %parallel_loop3A_413 = arith.constant 64 : i32
        %parallel_loop3A_414 = arith.constant 1 : i32
        scf.for %parallel_loop3A_415 = %parallel_loop3A to %parallel_loop3A_413 step %parallel_loop3A_414  : i32 {
          %parallel_loop3A_416 = arith.constant 16 : i32
          %parallel_loop3A_417 = arith.muli %parallel_loop3A_415, %parallel_loop3A_416 : i32
          %parallel_loop3A_418 = arith.constant 16 : i32
          %parallel_loop3A_419 = arith.muli %parallel_loop3A_415, %parallel_loop3A_418 : i32
          %parallel_loop3A_420 = arith.index_cast %scan3A_412 : i32 to index
          %parallel_loop3A_421 = arith.index_cast %parallel_loop3A_419 : i32 to index
          %parallel_loop3A_422 = tpu.vector_load %arg5[%parallel_loop3A_420, %parallel_loop3A_421] {strides = array<i32>} : memref<16x1024xf32, #tpu.memory_space<vmem>>, vector<1x16xf32>,
          %parallel_loop3A_423 = vector.shape_cast %parallel_loop3A_422 : vector<1x16xf32> to vector<16xf32>
          %parallel_loop3A_424 = arith.index_cast %scan3A_412 : i32 to index
          %parallel_loop3A_425 = arith.index_cast %parallel_loop3A_417 : i32 to index
          %parallel_loop3A_426 = tpu.vector_load %arg9[%parallel_loop3A_424, %parallel_loop3A_425] {strides = array<i32>} : memref<16x1024xf32, #tpu.memory_space<vmem>>, vector<1x16xf32>,
          %parallel_loop3A_427 = vector.shape_cast %parallel_loop3A_426 : vector<1x16xf32> to vector<16xf32>
          %parallel_loop3A_428 = vector.shape_cast %parallel_loop3A_423 : vector<16xf32> to vector<1x16xf32>
          tpu.vector_store %arg9[%parallel_loop3A_424, %parallel_loop3A_425], %parallel_loop3A_428 {add = true, strides = array<i32>} : memref<16x1024xf32, #tpu.memory_space<vmem>>, vector<1x16xf32>,
        } {sc.loop_unroll_factor = 8 : i64, sc.parallel_access}
      }
      %scan3A_155 = arith.constant 16 : i32
      %mul3A_156 = arith.constant 16 : i32
      %mul3A_157 = arith.muli %add3A_48, %mul3A_156 : i32
      %add3A_158 = arith.addi %mul3A_2, %mul3A_157 : i32
      %add3A_159 = arith.constant 16384 : i32
      %add3A_160 = arith.addi %add3A_159, %add3A_158 : i32
      %dma_start3A_161 = arith.constant 0 : i32
      %dma_start3A_162 = tpu.memref_slice %arg4[%add3A_160, %dma_start3A_161] : memref<32768x1024xf32, #tpu.memory_space<hbm>> -> memref<16x1024xf32, #tpu.memory_space<hbm>>
      %dma_start3A_163 = arith.constant 0 : i32
      %dma_start3A_164 = tpu.memref_slice %arg4[%add3A_160, %dma_start3A_163] : memref<32768x1024xf32, #tpu.memory_space<hbm>> -> memref<16x1024xf32, #tpu.memory_space<hbm>>
      tpu.enqueue_dma source(%arg9 : memref<16x1024xf32, #tpu.memory_space<vmem>>) target(%dma_start3A_164 : memref<16x1024xf32, #tpu.memory_space<hbm>>) target_semaphore(%arg19 : memref<!tpu.dma_semaphore, #tpu.memory_space<semaphore_mem>>)
      %mul3A_165 = arith.constant 16 : i32
      %mul3A_166 = arith.muli %add3A_48, %mul3A_165 : i32
      %add3A_167 = arith.addi %mul3A_2, %mul3A_166 : i32
      %add3A_168 = arith.constant 0 : i32
      %add3A_169 = arith.addi %add3A_168, %add3A_167 : i32
      %dma_wait3A_170 = arith.constant 0 : i32
      %dma_wait3A_171 = tpu.memref_slice %arg4[%add3A_169, %dma_wait3A_170] : memref<32768x1024xf32, #tpu.memory_space<hbm>> -> memref<16x1024xf32, #tpu.memory_space<hbm>>
      %dma_wait3A_172 = arith.constant 0 : i32
      %dma_wait3A_173 = tpu.memref_slice %arg4[%add3A_169, %dma_wait3A_172] : memref<32768x1024xf32, #tpu.memory_space<hbm>> -> memref<16x1024xf32, #tpu.memory_space<hbm>>
      tpu.wait_dma2 semaphore(%arg17 : memref<!tpu.dma_semaphore, #tpu.memory_space<semaphore_mem>>) src(%arg7 : memref<16x1024xf32, #tpu.memory_space<vmem>>) dst(%dma_wait3A_173 : memref<16x1024xf32, #tpu.memory_space<hbm>>)
      %add3A_174 = arith.constant 1 : i32
      %add3A_175 = arith.addi %add3A_48, %add3A_174 : i32
      %mul3A_176 = arith.constant 16 : i32
      %mul3A_177 = arith.muli %add3A_175, %mul3A_176 : i32
      %add3A_178 = arith.addi %mul3A_2, %mul3A_177 : i32
      %add3A_179 = arith.constant 0 : i32
      %add3A_180 = arith.addi %add3A_179, %add3A_178 : i32
      %dma_start3A_181 = arith.constant 0 : i32
      %dma_start3A_182 = tpu.memref_slice %arg2[%add3A_180, %dma_start3A_181] : memref<32768x1024xf32, #tpu.memory_space<hbm>> -> memref<16x1024xf32, #tpu.memory_space<hbm>>
      %dma_start3A_183 = arith.constant 0 : i32
      %dma_start3A_184 = tpu.memref_slice %arg2[%add3A_180, %dma_start3A_183] : memref<32768x1024xf32, #tpu.memory_space<hbm>> -> memref<16x1024xf32, #tpu.memory_space<hbm>>
      tpu.enqueue_dma source(%dma_start3A_184 : memref<16x1024xf32, #tpu.memory_space<hbm>>) target(%arg7 : memref<16x1024xf32, #tpu.memory_space<vmem>>) target_semaphore(%arg13 : memref<!tpu.dma_semaphore, #tpu.memory_space<semaphore_mem>>)
      %mul3A_185 = arith.constant 16 : i32
      %mul3A_186 = arith.muli %add3A_48, %mul3A_185 : i32
      %add3A_187 = arith.addi %mul3A_2, %mul3A_186 : i32
      %add3A_188 = arith.constant 24576 : i32
      %add3A_189 = arith.addi %add3A_188, %add3A_187 : i32
      %dma_wait3A_190 = arith.constant 0 : i32
      %dma_wait3A_191 = tpu.memref_slice %arg2[%add3A_189, %dma_wait3A_190] : memref<32768x1024xf32, #tpu.memory_space<hbm>> -> memref<16x1024xf32, #tpu.memory_space<hbm>>
      %dma_wait3A_192 = arith.constant 0 : i32
      %dma_wait3A_193 = tpu.memref_slice %arg2[%add3A_189, %dma_wait3A_192] : memref<32768x1024xf32, #tpu.memory_space<hbm>> -> memref<16x1024xf32, #tpu.memory_space<hbm>>
      tpu.wait_dma2 semaphore(%arg16 : memref<!tpu.dma_semaphore, #tpu.memory_space<semaphore_mem>>) src(%dma_wait3A_193 : memref<16x1024xf32, #tpu.memory_space<hbm>>) dst(%arg10 : memref<16x1024xf32, #tpu.memory_space<vmem>>)
      %scan3A_194 = arith.constant 0 : i32
      %scan3A_195 = arith.constant 0 : i32
      %scan3A_196 = arith.constant 16 : i32
      %scan3A_197 = arith.addi %scan3A_195, %scan3A_196 : i32
      %scan3A_198 = arith.constant 1 : i32
      scf.for %scan3A_412 = %scan3A_195 to %scan3A_197 step %scan3A_198  : i32 {
        %parallel_loop3A = arith.constant 0 : i32
        %parallel_loop3A_413 = arith.constant 64 : i32
        %parallel_loop3A_414 = arith.constant 1 : i32
        scf.for %parallel_loop3A_415 = %parallel_loop3A to %parallel_loop3A_413 step %parallel_loop3A_414  : i32 {
          %parallel_loop3A_416 = arith.constant 16 : i32
          %parallel_loop3A_417 = arith.muli %parallel_loop3A_415, %parallel_loop3A_416 : i32
          %parallel_loop3A_418 = arith.constant 16 : i32
          %parallel_loop3A_419 = arith.muli %parallel_loop3A_415, %parallel_loop3A_418 : i32
          %parallel_loop3A_420 = arith.index_cast %scan3A_412 : i32 to index
          %parallel_loop3A_421 = arith.index_cast %parallel_loop3A_419 : i32 to index
          %parallel_loop3A_422 = tpu.vector_load %arg5[%parallel_loop3A_420, %parallel_loop3A_421] {strides = array<i32>} : memref<16x1024xf32, #tpu.memory_space<vmem>>, vector<1x16xf32>,
          %parallel_loop3A_423 = vector.shape_cast %parallel_loop3A_422 : vector<1x16xf32> to vector<16xf32>
          %parallel_loop3A_424 = arith.index_cast %scan3A_412 : i32 to index
          %parallel_loop3A_425 = arith.index_cast %parallel_loop3A_417 : i32 to index
          %parallel_loop3A_426 = tpu.vector_load %arg10[%parallel_loop3A_424, %parallel_loop3A_425] {strides = array<i32>} : memref<16x1024xf32, #tpu.memory_space<vmem>>, vector<1x16xf32>,
          %parallel_loop3A_427 = vector.shape_cast %parallel_loop3A_426 : vector<1x16xf32> to vector<16xf32>
          %parallel_loop3A_428 = vector.shape_cast %parallel_loop3A_423 : vector<16xf32> to vector<1x16xf32>
          tpu.vector_store %arg10[%parallel_loop3A_424, %parallel_loop3A_425], %parallel_loop3A_428 {add = true, strides = array<i32>} : memref<16x1024xf32, #tpu.memory_space<vmem>>, vector<1x16xf32>,
        } {sc.loop_unroll_factor = 8 : i64, sc.parallel_access}
      }
      %scan3A_199 = arith.constant 16 : i32
      %mul3A_200 = arith.constant 16 : i32
      %mul3A_201 = arith.muli %add3A_48, %mul3A_200 : i32
      %add3A_202 = arith.addi %mul3A_2, %mul3A_201 : i32
      %add3A_203 = arith.constant 24576 : i32
      %add3A_204 = arith.addi %add3A_203, %add3A_202 : i32
      %dma_start3A_205 = arith.constant 0 : i32
      %dma_start3A_206 = tpu.memref_slice %arg4[%add3A_204, %dma_start3A_205] : memref<32768x1024xf32, #tpu.memory_space<hbm>> -> memref<16x1024xf32, #tpu.memory_space<hbm>>
      %dma_start3A_207 = arith.constant 0 : i32
      %dma_start3A_208 = tpu.memref_slice %arg4[%add3A_204, %dma_start3A_207] : memref<32768x1024xf32, #tpu.memory_space<hbm>> -> memref<16x1024xf32, #tpu.memory_space<hbm>>
      tpu.enqueue_dma source(%arg10 : memref<16x1024xf32, #tpu.memory_space<vmem>>) target(%dma_start3A_208 : memref<16x1024xf32, #tpu.memory_space<hbm>>) target_semaphore(%arg20 : memref<!tpu.dma_semaphore, #tpu.memory_space<semaphore_mem>>)
      %mul3A_209 = arith.constant 16 : i32
      %mul3A_210 = arith.muli %add3A_48, %mul3A_209 : i32
      %add3A_211 = arith.addi %mul3A_2, %mul3A_210 : i32
      %add3A_212 = arith.constant 8192 : i32
      %add3A_213 = arith.addi %add3A_212, %add3A_211 : i32
      %dma_wait3A_214 = arith.constant 0 : i32
      %dma_wait3A_215 = tpu.memref_slice %arg4[%add3A_213, %dma_wait3A_214] : memref<32768x1024xf32, #tpu.memory_space<hbm>> -> memref<16x1024xf32, #tpu.memory_space<hbm>>
      %dma_wait3A_216 = arith.constant 0 : i32
      %dma_wait3A_217 = tpu.memref_slice %arg4[%add3A_213, %dma_wait3A_216] : memref<32768x1024xf32, #tpu.memory_space<hbm>> -> memref<16x1024xf32, #tpu.memory_space<hbm>>
      tpu.wait_dma2 semaphore(%arg18 : memref<!tpu.dma_semaphore, #tpu.memory_space<semaphore_mem>>) src(%arg8 : memref<16x1024xf32, #tpu.memory_space<vmem>>) dst(%dma_wait3A_217 : memref<16x1024xf32, #tpu.memory_space<hbm>>)
      %add3A_218 = arith.constant 1 : i32
      %add3A_219 = arith.addi %add3A_48, %add3A_218 : i32
      %mul3A_220 = arith.constant 16 : i32
      %mul3A_221 = arith.muli %add3A_219, %mul3A_220 : i32
      %add3A_222 = arith.addi %mul3A_2, %mul3A_221 : i32
      %add3A_223 = arith.constant 8192 : i32
      %add3A_224 = arith.addi %add3A_223, %add3A_222 : i32
      %dma_start3A_225 = arith.constant 0 : i32
      %dma_start3A_226 = tpu.memref_slice %arg2[%add3A_224, %dma_start3A_225] : memref<32768x1024xf32, #tpu.memory_space<hbm>> -> memref<16x1024xf32, #tpu.memory_space<hbm>>
      %dma_start3A_227 = arith.constant 0 : i32
      %dma_start3A_228 = tpu.memref_slice %arg2[%add3A_224, %dma_start3A_227] : memref<32768x1024xf32, #tpu.memory_space<hbm>> -> memref<16x1024xf32, #tpu.memory_space<hbm>>
      tpu.enqueue_dma source(%dma_start3A_228 : memref<16x1024xf32, #tpu.memory_space<hbm>>) target(%arg8 : memref<16x1024xf32, #tpu.memory_space<vmem>>) target_semaphore(%arg14 : memref<!tpu.dma_semaphore, #tpu.memory_space<semaphore_mem>>)
      %mul3A_229 = arith.constant 2 : i32
      %mul3A_230 = arith.muli %mul3A_229, %scan3A_44 : i32
      %add3A_231 = arith.constant 1 : i32
      %add3A_232 = arith.addi %mul3A_230, %add3A_231 : i32
      %mul3A_233 = arith.constant 16 : i32
      %mul3A_234 = arith.muli %add3A_232, %mul3A_233 : i32
      %add3A_235 = arith.addi %mul3A_2, %mul3A_234 : i32
      %dma_wait3A_236 = arith.constant 0 : i32
      %dma_wait3A_237 = tpu.memref_slice %arg3[%add3A_235, %dma_wait3A_236] : memref<8192x1024xf32, #tpu.memory_space<hbm>> -> memref<16x1024xf32, #tpu.memory_space<hbm>>
      %dma_wait3A_238 = arith.constant 0 : i32
      %dma_wait3A_239 = tpu.memref_slice %arg3[%add3A_235, %dma_wait3A_238] : memref<8192x1024xf32, #tpu.memory_space<hbm>> -> memref<16x1024xf32, #tpu.memory_space<hbm>>
      tpu.wait_dma2 semaphore(%arg12 : memref<!tpu.dma_semaphore, #tpu.memory_space<semaphore_mem>>) src(%dma_wait3A_239 : memref<16x1024xf32, #tpu.memory_space<hbm>>) dst(%arg6 : memref<16x1024xf32, #tpu.memory_space<vmem>>)
      %lt3A = arith.constant 7 : i32
      %lt3A_240 = arith.cmpi slt, %scan3A_44, %lt3A : i32
      %convert_element_type3A_241 = arith.extui %lt3A_240 : i1 to i32
      %cond3A_242 = arith.constant 0 : i32
      %cond3A_243 = arith.cmpi ne, %convert_element_type3A_241, %cond3A_242 : i32
      scf.if %cond3A_243 {
        %add3A_412 = arith.constant 1 : i32
        %add3A_413 = arith.addi %add3A_232, %add3A_412 : i32
        %mul3A_414 = arith.constant 16 : i32
        %mul3A_415 = arith.muli %add3A_413, %mul3A_414 : i32
        %add3A_416 = arith.addi %mul3A_2, %mul3A_415 : i32
        %dma_start3A_417 = arith.constant 0 : i32
        %dma_start3A_418 = tpu.memref_slice %arg3[%add3A_416, %dma_start3A_417] : memref<8192x1024xf32, #tpu.memory_space<hbm>> -> memref<16x1024xf32, #tpu.memory_space<hbm>>
        %dma_start3A_419 = arith.constant 0 : i32
        %dma_start3A_420 = tpu.memref_slice %arg3[%add3A_416, %dma_start3A_419] : memref<8192x1024xf32, #tpu.memory_space<hbm>> -> memref<16x1024xf32, #tpu.memory_space<hbm>>
        tpu.enqueue_dma source(%dma_start3A_420 : memref<16x1024xf32, #tpu.memory_space<hbm>>) target(%arg5 : memref<16x1024xf32, #tpu.memory_space<vmem>>) target_semaphore(%arg11 : memref<!tpu.dma_semaphore, #tpu.memory_space<semaphore_mem>>)
      } else {
      }
      %mul3A_244 = arith.constant 16 : i32
      %mul3A_245 = arith.muli %add3A_232, %mul3A_244 : i32
      %add3A_246 = arith.addi %mul3A_2, %mul3A_245 : i32
      %add3A_247 = arith.constant 0 : i32
      %add3A_248 = arith.addi %add3A_247, %add3A_246 : i32
      %dma_wait3A_249 = arith.constant 0 : i32
      %dma_wait3A_250 = tpu.memref_slice %arg2[%add3A_248, %dma_wait3A_249] : memref<32768x1024xf32, #tpu.memory_space<hbm>> -> memref<16x1024xf32, #tpu.memory_space<hbm>>
      %dma_wait3A_251 = arith.constant 0 : i32
      %dma_wait3A_252 = tpu.memref_slice %arg2[%add3A_248, %dma_wait3A_251] : memref<32768x1024xf32, #tpu.memory_space<hbm>> -> memref<16x1024xf32, #tpu.memory_space<hbm>>
      tpu.wait_dma2 semaphore(%arg13 : memref<!tpu.dma_semaphore, #tpu.memory_space<semaphore_mem>>) src(%dma_wait3A_252 : memref<16x1024xf32, #tpu.memory_space<hbm>>) dst(%arg7 : memref<16x1024xf32, #tpu.memory_space<vmem>>)
      %scan3A_253 = arith.constant 0 : i32
      %scan3A_254 = arith.constant 0 : i32
      %scan3A_255 = arith.constant 16 : i32
      %scan3A_256 = arith.addi %scan3A_254, %scan3A_255 : i32
      %scan3A_257 = arith.constant 1 : i32
      scf.for %scan3A_412 = %scan3A_254 to %scan3A_256 step %scan3A_257  : i32 {
        %parallel_loop3A = arith.constant 0 : i32
        %parallel_loop3A_413 = arith.constant 64 : i32
        %parallel_loop3A_414 = arith.constant 1 : i32
        scf.for %parallel_loop3A_415 = %parallel_loop3A to %parallel_loop3A_413 step %parallel_loop3A_414  : i32 {
          %parallel_loop3A_416 = arith.constant 16 : i32
          %parallel_loop3A_417 = arith.muli %parallel_loop3A_415, %parallel_loop3A_416 : i32
          %parallel_loop3A_418 = arith.constant 16 : i32
          %parallel_loop3A_419 = arith.muli %parallel_loop3A_415, %parallel_loop3A_418 : i32
          %parallel_loop3A_420 = arith.index_cast %scan3A_412 : i32 to index
          %parallel_loop3A_421 = arith.index_cast %parallel_loop3A_419 : i32 to index
          %parallel_loop3A_422 = tpu.vector_load %arg6[%parallel_loop3A_420, %parallel_loop3A_421] {strides = array<i32>} : memref<16x1024xf32, #tpu.memory_space<vmem>>, vector<1x16xf32>,
          %parallel_loop3A_423 = vector.shape_cast %parallel_loop3A_422 : vector<1x16xf32> to vector<16xf32>
          %parallel_loop3A_424 = arith.index_cast %scan3A_412 : i32 to index
          %parallel_loop3A_425 = arith.index_cast %parallel_loop3A_417 : i32 to index
          %parallel_loop3A_426 = tpu.vector_load %arg7[%parallel_loop3A_424, %parallel_loop3A_425] {strides = array<i32>} : memref<16x1024xf32, #tpu.memory_space<vmem>>, vector<1x16xf32>,
          %parallel_loop3A_427 = vector.shape_cast %parallel_loop3A_426 : vector<1x16xf32> to vector<16xf32>
          %parallel_loop3A_428 = vector.shape_cast %parallel_loop3A_423 : vector<16xf32> to vector<1x16xf32>
          tpu.vector_store %arg7[%parallel_loop3A_424, %parallel_loop3A_425], %parallel_loop3A_428 {add = true, strides = array<i32>} : memref<16x1024xf32, #tpu.memory_space<vmem>>, vector<1x16xf32>,
        } {sc.loop_unroll_factor = 8 : i64, sc.parallel_access}
      }
      %scan3A_258 = arith.constant 16 : i32
      %mul3A_259 = arith.constant 16 : i32
      %mul3A_260 = arith.muli %add3A_232, %mul3A_259 : i32
      %add3A_261 = arith.addi %mul3A_2, %mul3A_260 : i32
      %add3A_262 = arith.constant 0 : i32
      %add3A_263 = arith.addi %add3A_262, %add3A_261 : i32
      %dma_start3A_264 = arith.constant 0 : i32
      %dma_start3A_265 = tpu.memref_slice %arg4[%add3A_263, %dma_start3A_264] : memref<32768x1024xf32, #tpu.memory_space<hbm>> -> memref<16x1024xf32, #tpu.memory_space<hbm>>
      %dma_start3A_266 = arith.constant 0 : i32
      %dma_start3A_267 = tpu.memref_slice %arg4[%add3A_263, %dma_start3A_266] : memref<32768x1024xf32, #tpu.memory_space<hbm>> -> memref<16x1024xf32, #tpu.memory_space<hbm>>
      tpu.enqueue_dma source(%arg7 : memref<16x1024xf32, #tpu.memory_space<vmem>>) target(%dma_start3A_267 : memref<16x1024xf32, #tpu.memory_space<hbm>>) target_semaphore(%arg17 : memref<!tpu.dma_semaphore, #tpu.memory_space<semaphore_mem>>)
      %sub3A_268 = arith.constant 1 : i32
      %sub3A_269 = arith.subi %add3A_232, %sub3A_268 : i32
      %mul3A_270 = arith.constant 16 : i32
      %mul3A_271 = arith.muli %sub3A_269, %mul3A_270 : i32
      %add3A_272 = arith.addi %mul3A_2, %mul3A_271 : i32
      %add3A_273 = arith.constant 16384 : i32
      %add3A_274 = arith.addi %add3A_273, %add3A_272 : i32
      %dma_wait3A_275 = arith.constant 0 : i32
      %dma_wait3A_276 = tpu.memref_slice %arg4[%add3A_274, %dma_wait3A_275] : memref<32768x1024xf32, #tpu.memory_space<hbm>> -> memref<16x1024xf32, #tpu.memory_space<hbm>>
      %dma_wait3A_277 = arith.constant 0 : i32
      %dma_wait3A_278 = tpu.memref_slice %arg4[%add3A_274, %dma_wait3A_277] : memref<32768x1024xf32, #tpu.memory_space<hbm>> -> memref<16x1024xf32, #tpu.memory_space<hbm>>
      tpu.wait_dma2 semaphore(%arg19 : memref<!tpu.dma_semaphore, #tpu.memory_space<semaphore_mem>>) src(%arg9 : memref<16x1024xf32, #tpu.memory_space<vmem>>) dst(%dma_wait3A_278 : memref<16x1024xf32, #tpu.memory_space<hbm>>)
      %mul3A_279 = arith.constant 16 : i32
      %mul3A_280 = arith.muli %add3A_232, %mul3A_279 : i32
      %add3A_281 = arith.addi %mul3A_2, %mul3A_280 : i32
      %add3A_282 = arith.constant 16384 : i32
      %add3A_283 = arith.addi %add3A_282, %add3A_281 : i32
      %dma_start3A_284 = arith.constant 0 : i32
      %dma_start3A_285 = tpu.memref_slice %arg2[%add3A_283, %dma_start3A_284] : memref<32768x1024xf32, #tpu.memory_space<hbm>> -> memref<16x1024xf32, #tpu.memory_space<hbm>>
      %dma_start3A_286 = arith.constant 0 : i32
      %dma_start3A_287 = tpu.memref_slice %arg2[%add3A_283, %dma_start3A_286] : memref<32768x1024xf32, #tpu.memory_space<hbm>> -> memref<16x1024xf32, #tpu.memory_space<hbm>>
      tpu.enqueue_dma source(%dma_start3A_287 : memref<16x1024xf32, #tpu.memory_space<hbm>>) target(%arg9 : memref<16x1024xf32, #tpu.memory_space<vmem>>) target_semaphore(%arg15 : memref<!tpu.dma_semaphore, #tpu.memory_space<semaphore_mem>>)
      %mul3A_288 = arith.constant 16 : i32
      %mul3A_289 = arith.muli %add3A_232, %mul3A_288 : i32
      %add3A_290 = arith.addi %mul3A_2, %mul3A_289 : i32
      %add3A_291 = arith.constant 8192 : i32
      %add3A_292 = arith.addi %add3A_291, %add3A_290 : i32
      %dma_wait3A_293 = arith.constant 0 : i32
      %dma_wait3A_294 = tpu.memref_slice %arg2[%add3A_292, %dma_wait3A_293] : memref<32768x1024xf32, #tpu.memory_space<hbm>> -> memref<16x1024xf32, #tpu.memory_space<hbm>>
      %dma_wait3A_295 = arith.constant 0 : i32
      %dma_wait3A_296 = tpu.memref_slice %arg2[%add3A_292, %dma_wait3A_295] : memref<32768x1024xf32, #tpu.memory_space<hbm>> -> memref<16x1024xf32, #tpu.memory_space<hbm>>
      tpu.wait_dma2 semaphore(%arg14 : memref<!tpu.dma_semaphore, #tpu.memory_space<semaphore_mem>>) src(%dma_wait3A_296 : memref<16x1024xf32, #tpu.memory_space<hbm>>) dst(%arg8 : memref<16x1024xf32, #tpu.memory_space<vmem>>)
      %scan3A_297 = arith.constant 0 : i32
      %scan3A_298 = arith.constant 0 : i32
      %scan3A_299 = arith.constant 16 : i32
      %scan3A_300 = arith.addi %scan3A_298, %scan3A_299 : i32
      %scan3A_301 = arith.constant 1 : i32
      scf.for %scan3A_412 = %scan3A_298 to %scan3A_300 step %scan3A_301  : i32 {
        %parallel_loop3A = arith.constant 0 : i32
        %parallel_loop3A_413 = arith.constant 64 : i32
        %parallel_loop3A_414 = arith.constant 1 : i32
        scf.for %parallel_loop3A_415 = %parallel_loop3A to %parallel_loop3A_413 step %parallel_loop3A_414  : i32 {
          %parallel_loop3A_416 = arith.constant 16 : i32
          %parallel_loop3A_417 = arith.muli %parallel_loop3A_415, %parallel_loop3A_416 : i32
          %parallel_loop3A_418 = arith.constant 16 : i32
          %parallel_loop3A_419 = arith.muli %parallel_loop3A_415, %parallel_loop3A_418 : i32
          %parallel_loop3A_420 = arith.index_cast %scan3A_412 : i32 to index
          %parallel_loop3A_421 = arith.index_cast %parallel_loop3A_419 : i32 to index
          %parallel_loop3A_422 = tpu.vector_load %arg6[%parallel_loop3A_420, %parallel_loop3A_421] {strides = array<i32>} : memref<16x1024xf32, #tpu.memory_space<vmem>>, vector<1x16xf32>,
          %parallel_loop3A_423 = vector.shape_cast %parallel_loop3A_422 : vector<1x16xf32> to vector<16xf32>
          %parallel_loop3A_424 = arith.index_cast %scan3A_412 : i32 to index
          %parallel_loop3A_425 = arith.index_cast %parallel_loop3A_417 : i32 to index
          %parallel_loop3A_426 = tpu.vector_load %arg8[%parallel_loop3A_424, %parallel_loop3A_425] {strides = array<i32>} : memref<16x1024xf32, #tpu.memory_space<vmem>>, vector<1x16xf32>,
          %parallel_loop3A_427 = vector.shape_cast %parallel_loop3A_426 : vector<1x16xf32> to vector<16xf32>
          %parallel_loop3A_428 = vector.shape_cast %parallel_loop3A_423 : vector<16xf32> to vector<1x16xf32>
          tpu.vector_store %arg8[%parallel_loop3A_424, %parallel_loop3A_425], %parallel_loop3A_428 {add = true, strides = array<i32>} : memref<16x1024xf32, #tpu.memory_space<vmem>>, vector<1x16xf32>,
        } {sc.loop_unroll_factor = 8 : i64, sc.parallel_access}
      }
      %scan3A_302 = arith.constant 16 : i32
      %mul3A_303 = arith.constant 16 : i32
      %mul3A_304 = arith.muli %add3A_232, %mul3A_303 : i32
      %add3A_305 = arith.addi %mul3A_2, %mul3A_304 : i32
      %add3A_306 = arith.constant 8192 : i32
      %add3A_307 = arith.addi %add3A_306, %add3A_305 : i32
      %dma_start3A_308 = arith.constant 0 : i32
      %dma_start3A_309 = tpu.memref_slice %arg4[%add3A_307, %dma_start3A_308] : memref<32768x1024xf32, #tpu.memory_space<hbm>> -> memref<16x1024xf32, #tpu.memory_space<hbm>>
      %dma_start3A_310 = arith.constant 0 : i32
      %dma_start3A_311 = tpu.memref_slice %arg4[%add3A_307, %dma_start3A_310] : memref<32768x1024xf32, #tpu.memory_space<hbm>> -> memref<16x1024xf32, #tpu.memory_space<hbm>>
      tpu.enqueue_dma source(%arg8 : memref<16x1024xf32, #tpu.memory_space<vmem>>) target(%dma_start3A_311 : memref<16x1024xf32, #tpu.memory_space<hbm>>) target_semaphore(%arg18 : memref<!tpu.dma_semaphore, #tpu.memory_space<semaphore_mem>>)
      %sub3A_312 = arith.constant 1 : i32
      %sub3A_313 = arith.subi %add3A_232, %sub3A_312 : i32
      %mul3A_314 = arith.constant 16 : i32
      %mul3A_315 = arith.muli %sub3A_313, %mul3A_314 : i32
      %add3A_316 = arith.addi %mul3A_2, %mul3A_315 : i32
      %add3A_317 = arith.constant 24576 : i32
      %add3A_318 = arith.addi %add3A_317, %add3A_316 : i32
      %dma_wait3A_319 = arith.constant 0 : i32
      %dma_wait3A_320 = tpu.memref_slice %arg4[%add3A_318, %dma_wait3A_319] : memref<32768x1024xf32, #tpu.memory_space<hbm>> -> memref<16x1024xf32, #tpu.memory_space<hbm>>
      %dma_wait3A_321 = arith.constant 0 : i32
      %dma_wait3A_322 = tpu.memref_slice %arg4[%add3A_318, %dma_wait3A_321] : memref<32768x1024xf32, #tpu.memory_space<hbm>> -> memref<16x1024xf32, #tpu.memory_space<hbm>>
      tpu.wait_dma2 semaphore(%arg20 : memref<!tpu.dma_semaphore, #tpu.memory_space<semaphore_mem>>) src(%arg10 : memref<16x1024xf32, #tpu.memory_space<vmem>>) dst(%dma_wait3A_322 : memref<16x1024xf32, #tpu.memory_space<hbm>>)
      %mul3A_323 = arith.constant 16 : i32
      %mul3A_324 = arith.muli %add3A_232, %mul3A_323 : i32
      %add3A_325 = arith.addi %mul3A_2, %mul3A_324 : i32
      %add3A_326 = arith.constant 24576 : i32
      %add3A_327 = arith.addi %add3A_326, %add3A_325 : i32
      %dma_start3A_328 = arith.constant 0 : i32
      %dma_start3A_329 = tpu.memref_slice %arg2[%add3A_327, %dma_start3A_328] : memref<32768x1024xf32, #tpu.memory_space<hbm>> -> memref<16x1024xf32, #tpu.memory_space<hbm>>
      %dma_start3A_330 = arith.constant 0 : i32
      %dma_start3A_331 = tpu.memref_slice %arg2[%add3A_327, %dma_start3A_330] : memref<32768x1024xf32, #tpu.memory_space<hbm>> -> memref<16x1024xf32, #tpu.memory_space<hbm>>
      tpu.enqueue_dma source(%dma_start3A_331 : memref<16x1024xf32, #tpu.memory_space<hbm>>) target(%arg10 : memref<16x1024xf32, #tpu.memory_space<vmem>>) target_semaphore(%arg16 : memref<!tpu.dma_semaphore, #tpu.memory_space<semaphore_mem>>)
      %mul3A_332 = arith.constant 16 : i32
      %mul3A_333 = arith.muli %add3A_232, %mul3A_332 : i32
      %add3A_334 = arith.addi %mul3A_2, %mul3A_333 : i32
      %add3A_335 = arith.constant 16384 : i32
      %add3A_336 = arith.addi %add3A_335, %add3A_334 : i32
      %dma_wait3A_337 = arith.constant 0 : i32
      %dma_wait3A_338 = tpu.memref_slice %arg2[%add3A_336, %dma_wait3A_337] : memref<32768x1024xf32, #tpu.memory_space<hbm>> -> memref<16x1024xf32, #tpu.memory_space<hbm>>
      %dma_wait3A_339 = arith.constant 0 : i32
      %dma_wait3A_340 = tpu.memref_slice %arg2[%add3A_336, %dma_wait3A_339] : memref<32768x1024xf32, #tpu.memory_space<hbm>> -> memref<16x1024xf32, #tpu.memory_space<hbm>>
      tpu.wait_dma2 semaphore(%arg15 : memref<!tpu.dma_semaphore, #tpu.memory_space<semaphore_mem>>) src(%dma_wait3A_340 : memref<16x1024xf32, #tpu.memory_space<hbm>>) dst(%arg9 : memref<16x1024xf32, #tpu.memory_space<vmem>>)
      %scan3A_341 = arith.constant 0 : i32
      %scan3A_342 = arith.constant 0 : i32
      %scan3A_343 = arith.constant 16 : i32
      %scan3A_344 = arith.addi %scan3A_342, %scan3A_343 : i32
      %scan3A_345 = arith.constant 1 : i32
      scf.for %scan3A_412 = %scan3A_342 to %scan3A_344 step %scan3A_345  : i32 {
        %parallel_loop3A = arith.constant 0 : i32
        %parallel_loop3A_413 = arith.constant 64 : i32
        %parallel_loop3A_414 = arith.constant 1 : i32
        scf.for %parallel_loop3A_415 = %parallel_loop3A to %parallel_loop3A_413 step %parallel_loop3A_414  : i32 {
          %parallel_loop3A_416 = arith.constant 16 : i32
          %parallel_loop3A_417 = arith.muli %parallel_loop3A_415, %parallel_loop3A_416 : i32
          %parallel_loop3A_418 = arith.constant 16 : i32
          %parallel_loop3A_419 = arith.muli %parallel_loop3A_415, %parallel_loop3A_418 : i32
          %parallel_loop3A_420 = arith.index_cast %scan3A_412 : i32 to index
          %parallel_loop3A_421 = arith.index_cast %parallel_loop3A_419 : i32 to index
          %parallel_loop3A_422 = tpu.vector_load %arg6[%parallel_loop3A_420, %parallel_loop3A_421] {strides = array<i32>} : memref<16x1024xf32, #tpu.memory_space<vmem>>, vector<1x16xf32>,
          %parallel_loop3A_423 = vector.shape_cast %parallel_loop3A_422 : vector<1x16xf32> to vector<16xf32>
          %parallel_loop3A_424 = arith.index_cast %scan3A_412 : i32 to index
          %parallel_loop3A_425 = arith.index_cast %parallel_loop3A_417 : i32 to index
          %parallel_loop3A_426 = tpu.vector_load %arg9[%parallel_loop3A_424, %parallel_loop3A_425] {strides = array<i32>} : memref<16x1024xf32, #tpu.memory_space<vmem>>, vector<1x16xf32>,
          %parallel_loop3A_427 = vector.shape_cast %parallel_loop3A_426 : vector<1x16xf32> to vector<16xf32>
          %parallel_loop3A_428 = vector.shape_cast %parallel_loop3A_423 : vector<16xf32> to vector<1x16xf32>
          tpu.vector_store %arg9[%parallel_loop3A_424, %parallel_loop3A_425], %parallel_loop3A_428 {add = true, strides = array<i32>} : memref<16x1024xf32, #tpu.memory_space<vmem>>, vector<1x16xf32>,
        } {sc.loop_unroll_factor = 8 : i64, sc.parallel_access}
      }
      %scan3A_346 = arith.constant 16 : i32
      %mul3A_347 = arith.constant 16 : i32
      %mul3A_348 = arith.muli %add3A_232, %mul3A_347 : i32
      %add3A_349 = arith.addi %mul3A_2, %mul3A_348 : i32
      %add3A_350 = arith.constant 16384 : i32
      %add3A_351 = arith.addi %add3A_350, %add3A_349 : i32
      %dma_start3A_352 = arith.constant 0 : i32
      %dma_start3A_353 = tpu.memref_slice %arg4[%add3A_351, %dma_start3A_352] : memref<32768x1024xf32, #tpu.memory_space<hbm>> -> memref<16x1024xf32, #tpu.memory_space<hbm>>
      %dma_start3A_354 = arith.constant 0 : i32
      %dma_start3A_355 = tpu.memref_slice %arg4[%add3A_351, %dma_start3A_354] : memref<32768x1024xf32, #tpu.memory_space<hbm>> -> memref<16x1024xf32, #tpu.memory_space<hbm>>
      tpu.enqueue_dma source(%arg9 : memref<16x1024xf32, #tpu.memory_space<vmem>>) target(%dma_start3A_355 : memref<16x1024xf32, #tpu.memory_space<hbm>>) target_semaphore(%arg19 : memref<!tpu.dma_semaphore, #tpu.memory_space<semaphore_mem>>)
      %mul3A_356 = arith.constant 16 : i32
      %mul3A_357 = arith.muli %add3A_232, %mul3A_356 : i32
      %add3A_358 = arith.addi %mul3A_2, %mul3A_357 : i32
      %add3A_359 = arith.constant 0 : i32
      %add3A_360 = arith.addi %add3A_359, %add3A_358 : i32
      %dma_wait3A_361 = arith.constant 0 : i32
      %dma_wait3A_362 = tpu.memref_slice %arg4[%add3A_360, %dma_wait3A_361] : memref<32768x1024xf32, #tpu.memory_space<hbm>> -> memref<16x1024xf32, #tpu.memory_space<hbm>>
      %dma_wait3A_363 = arith.constant 0 : i32
      %dma_wait3A_364 = tpu.memref_slice %arg4[%add3A_360, %dma_wait3A_363] : memref<32768x1024xf32, #tpu.memory_space<hbm>> -> memref<16x1024xf32, #tpu.memory_space<hbm>>
      tpu.wait_dma2 semaphore(%arg17 : memref<!tpu.dma_semaphore, #tpu.memory_space<semaphore_mem>>) src(%arg7 : memref<16x1024xf32, #tpu.memory_space<vmem>>) dst(%dma_wait3A_364 : memref<16x1024xf32, #tpu.memory_space<hbm>>)
      %add3A_365 = arith.constant 1 : i32
      %add3A_366 = arith.addi %add3A_232, %add3A_365 : i32
      %lt3A_367 = arith.constant 7 : i32
      %lt3A_368 = arith.cmpi slt, %scan3A_44, %lt3A_367 : i32
      %convert_element_type3A_369 = arith.extui %lt3A_368 : i1 to i32
      %cond3A_370 = arith.constant 0 : i32
      %cond3A_371 = arith.cmpi ne, %convert_element_type3A_369, %cond3A_370 : i32
      scf.if %cond3A_371 {
        %mul3A_412 = arith.constant 16 : i32
        %mul3A_413 = arith.muli %add3A_366, %mul3A_412 : i32
        %add3A_414 = arith.addi %mul3A_2, %mul3A_413 : i32
        %add3A_415 = arith.constant 0 : i32
        %add3A_416 = arith.addi %add3A_415, %add3A_414 : i32
        %dma_start3A_417 = arith.constant 0 : i32
        %dma_start3A_418 = tpu.memref_slice %arg2[%add3A_416, %dma_start3A_417] : memref<32768x1024xf32, #tpu.memory_space<hbm>> -> memref<16x1024xf32, #tpu.memory_space<hbm>>
        %dma_start3A_419 = arith.constant 0 : i32
        %dma_start3A_420 = tpu.memref_slice %arg2[%add3A_416, %dma_start3A_419] : memref<32768x1024xf32, #tpu.memory_space<hbm>> -> memref<16x1024xf32, #tpu.memory_space<hbm>>
        tpu.enqueue_dma source(%dma_start3A_420 : memref<16x1024xf32, #tpu.memory_space<hbm>>) target(%arg7 : memref<16x1024xf32, #tpu.memory_space<vmem>>) target_semaphore(%arg13 : memref<!tpu.dma_semaphore, #tpu.memory_space<semaphore_mem>>)
      } else {
      }
      %mul3A_372 = arith.constant 16 : i32
      %mul3A_373 = arith.muli %add3A_232, %mul3A_372 : i32
      %add3A_374 = arith.addi %mul3A_2, %mul3A_373 : i32
      %add3A_375 = arith.constant 24576 : i32
      %add3A_376 = arith.addi %add3A_375, %add3A_374 : i32
      %dma_wait3A_377 = arith.constant 0 : i32
      %dma_wait3A_378 = tpu.memref_slice %arg2[%add3A_376, %dma_wait3A_377] : memref<32768x1024xf32, #tpu.memory_space<hbm>> -> memref<16x1024xf32, #tpu.memory_space<hbm>>
      %dma_wait3A_379 = arith.constant 0 : i32
      %dma_wait3A_380 = tpu.memref_slice %arg2[%add3A_376, %dma_wait3A_379] : memref<32768x1024xf32, #tpu.memory_space<hbm>> -> memref<16x1024xf32, #tpu.memory_space<hbm>>
      tpu.wait_dma2 semaphore(%arg16 : memref<!tpu.dma_semaphore, #tpu.memory_space<semaphore_mem>>) src(%dma_wait3A_380 : memref<16x1024xf32, #tpu.memory_space<hbm>>) dst(%arg10 : memref<16x1024xf32, #tpu.memory_space<vmem>>)
      %scan3A_381 = arith.constant 0 : i32
      %scan3A_382 = arith.constant 0 : i32
      %scan3A_383 = arith.constant 16 : i32
      %scan3A_384 = arith.addi %scan3A_382, %scan3A_383 : i32
      %scan3A_385 = arith.constant 1 : i32
      scf.for %scan3A_412 = %scan3A_382 to %scan3A_384 step %scan3A_385  : i32 {
        %parallel_loop3A = arith.constant 0 : i32
        %parallel_loop3A_413 = arith.constant 64 : i32
        %parallel_loop3A_414 = arith.constant 1 : i32
        scf.for %parallel_loop3A_415 = %parallel_loop3A to %parallel_loop3A_413 step %parallel_loop3A_414  : i32 {
          %parallel_loop3A_416 = arith.constant 16 : i32
          %parallel_loop3A_417 = arith.muli %parallel_loop3A_415, %parallel_loop3A_416 : i32
          %parallel_loop3A_418 = arith.constant 16 : i32
          %parallel_loop3A_419 = arith.muli %parallel_loop3A_415, %parallel_loop3A_418 : i32
          %parallel_loop3A_420 = arith.index_cast %scan3A_412 : i32 to index
          %parallel_loop3A_421 = arith.index_cast %parallel_loop3A_419 : i32 to index
          %parallel_loop3A_422 = tpu.vector_load %arg6[%parallel_loop3A_420, %parallel_loop3A_421] {strides = array<i32>} : memref<16x1024xf32, #tpu.memory_space<vmem>>, vector<1x16xf32>,
          %parallel_loop3A_423 = vector.shape_cast %parallel_loop3A_422 : vector<1x16xf32> to vector<16xf32>
          %parallel_loop3A_424 = arith.index_cast %scan3A_412 : i32 to index
          %parallel_loop3A_425 = arith.index_cast %parallel_loop3A_417 : i32 to index
          %parallel_loop3A_426 = tpu.vector_load %arg10[%parallel_loop3A_424, %parallel_loop3A_425] {strides = array<i32>} : memref<16x1024xf32, #tpu.memory_space<vmem>>, vector<1x16xf32>,
          %parallel_loop3A_427 = vector.shape_cast %parallel_loop3A_426 : vector<1x16xf32> to vector<16xf32>
          %parallel_loop3A_428 = vector.shape_cast %parallel_loop3A_423 : vector<16xf32> to vector<1x16xf32>
          tpu.vector_store %arg10[%parallel_loop3A_424, %parallel_loop3A_425], %parallel_loop3A_428 {add = true, strides = array<i32>} : memref<16x1024xf32, #tpu.memory_space<vmem>>, vector<1x16xf32>,
        } {sc.loop_unroll_factor = 8 : i64, sc.parallel_access}
      }
      %scan3A_386 = arith.constant 16 : i32
      %mul3A_387 = arith.constant 16 : i32
      %mul3A_388 = arith.muli %add3A_232, %mul3A_387 : i32
      %add3A_389 = arith.addi %mul3A_2, %mul3A_388 : i32
      %add3A_390 = arith.constant 24576 : i32
      %add3A_391 = arith.addi %add3A_390, %add3A_389 : i32
      %dma_start3A_392 = arith.constant 0 : i32
      %dma_start3A_393 = tpu.memref_slice %arg4[%add3A_391, %dma_start3A_392] : memref<32768x1024xf32, #tpu.memory_space<hbm>> -> memref<16x1024xf32, #tpu.memory_space<hbm>>
      %dma_start3A_394 = arith.constant 0 : i32
      %dma_start3A_395 = tpu.memref_slice %arg4[%add3A_391, %dma_start3A_394] : memref<32768x1024xf32, #tpu.memory_space<hbm>> -> memref<16x1024xf32, #tpu.memory_space<hbm>>
      tpu.enqueue_dma source(%arg10 : memref<16x1024xf32, #tpu.memory_space<vmem>>) target(%dma_start3A_395 : memref<16x1024xf32, #tpu.memory_space<hbm>>) target_semaphore(%arg20 : memref<!tpu.dma_semaphore, #tpu.memory_space<semaphore_mem>>)
      %mul3A_396 = arith.constant 16 : i32
      %mul3A_397 = arith.muli %add3A_232, %mul3A_396 : i32
      %add3A_398 = arith.addi %mul3A_2, %mul3A_397 : i32
      %add3A_399 = arith.constant 8192 : i32
      %add3A_400 = arith.addi %add3A_399, %add3A_398 : i32
      %dma_wait3A_401 = arith.constant 0 : i32
      %dma_wait3A_402 = tpu.memref_slice %arg4[%add3A_400, %dma_wait3A_401] : memref<32768x1024xf32, #tpu.memory_space<hbm>> -> memref<16x1024xf32, #tpu.memory_space<hbm>>
      %dma_wait3A_403 = arith.constant 0 : i32
      %dma_wait3A_404 = tpu.memref_slice %arg4[%add3A_400, %dma_wait3A_403] : memref<32768x1024xf32, #tpu.memory_space<hbm>> -> memref<16x1024xf32, #tpu.memory_space<hbm>>
      tpu.wait_dma2 semaphore(%arg18 : memref<!tpu.dma_semaphore, #tpu.memory_space<semaphore_mem>>) src(%arg8 : memref<16x1024xf32, #tpu.memory_space<vmem>>) dst(%dma_wait3A_404 : memref<16x1024xf32, #tpu.memory_space<hbm>>)
      %add3A_405 = arith.constant 1 : i32
      %add3A_406 = arith.addi %add3A_232, %add3A_405 : i32
      %lt3A_407 = arith.constant 7 : i32
      %lt3A_408 = arith.cmpi slt, %scan3A_44, %lt3A_407 : i32
      %convert_element_type3A_409 = arith.extui %lt3A_408 : i1 to i32
      %cond3A_410 = arith.constant 0 : i32
      %cond3A_411 = arith.cmpi ne, %convert_element_type3A_409, %cond3A_410 : i32
      scf.if %cond3A_411 {
        %mul3A_412 = arith.constant 16 : i32
        %mul3A_413 = arith.muli %add3A_406, %mul3A_412 : i32
        %add3A_414 = arith.addi %mul3A_2, %mul3A_413 : i32
        %add3A_415 = arith.constant 8192 : i32
        %add3A_416 = arith.addi %add3A_415, %add3A_414 : i32
        %dma_start3A_417 = arith.constant 0 : i32
        %dma_start3A_418 = tpu.memref_slice %arg2[%add3A_416, %dma_start3A_417] : memref<32768x1024xf32, #tpu.memory_space<hbm>> -> memref<16x1024xf32, #tpu.memory_space<hbm>>
        %dma_start3A_419 = arith.constant 0 : i32
        %dma_start3A_420 = tpu.memref_slice %arg2[%add3A_416, %dma_start3A_419] : memref<32768x1024xf32, #tpu.memory_space<hbm>> -> memref<16x1024xf32, #tpu.memory_space<hbm>>
        tpu.enqueue_dma source(%dma_start3A_420 : memref<16x1024xf32, #tpu.memory_space<hbm>>) target(%arg8 : memref<16x1024xf32, #tpu.memory_space<vmem>>) target_semaphore(%arg14 : memref<!tpu.dma_semaphore, #tpu.memory_space<semaphore_mem>>)
      } else {
      }
    }
    %scan3A_28 = arith.constant 8 : i32
    %add3A_29 = arith.constant 240 : i32
    %add3A_30 = arith.addi %mul3A_2, %add3A_29 : i32
    %add3A_31 = arith.constant 16384 : i32
    %add3A_32 = arith.addi %add3A_31, %add3A_30 : i32
    %dma_wait3A = arith.constant 0 : i32
    %dma_wait3A_33 = tpu.memref_slice %arg4[%add3A_32, %dma_wait3A] : memref<32768x1024xf32, #tpu.memory_space<hbm>> -> memref<16x1024xf32, #tpu.memory_space<hbm>>
    %dma_wait3A_34 = arith.constant 0 : i32
    %dma_wait3A_35 = tpu.memref_slice %arg4[%add3A_32, %dma_wait3A_34] : memref<32768x1024xf32, #tpu.memory_space<hbm>> -> memref<16x1024xf32, #tpu.memory_space<hbm>>
    tpu.wait_dma2 semaphore(%arg19 : memref<!tpu.dma_semaphore, #tpu.memory_space<semaphore_mem>>) src(%arg9 : memref<16x1024xf32, #tpu.memory_space<vmem>>) dst(%dma_wait3A_35 : memref<16x1024xf32, #tpu.memory_space<hbm>>)
    %add3A_36 = arith.constant 240 : i32
    %add3A_37 = arith.addi %mul3A_2, %add3A_36 : i32
    %add3A_38 = arith.constant 24576 : i32
    %add3A_39 = arith.addi %add3A_38, %add3A_37 : i32
    %dma_wait3A_40 = arith.constant 0 : i32
    %dma_wait3A_41 = tpu.memref_slice %arg4[%add3A_39, %dma_wait3A_40] : memref<32768x1024xf32, #tpu.memory_space<hbm>> -> memref<16x1024xf32, #tpu.memory_space<hbm>>
    %dma_wait3A_42 = arith.constant 0 : i32
    %dma_wait3A_43 = tpu.memref_slice %arg4[%add3A_39, %dma_wait3A_42] : memref<32768x1024xf32, #tpu.memory_space<hbm>> -> memref<16x1024xf32, #tpu.memory_space<hbm>>
    tpu.wait_dma2 semaphore(%arg20 : memref<!tpu.dma_semaphore, #tpu.memory_space<semaphore_mem>>) src(%arg10 : memref<16x1024xf32, #tpu.memory_space<vmem>>) dst(%dma_wait3A_43 : memref<16x1024xf32, #tpu.memory_space<hbm>>)
    return
  }
}

</mosaic_0001>

<sc_bundles>
// kernel: kernel.3.cloned.1.call-start
scs
__scs_entry_jumppad:
0x0: {  	(pc) =	sbr.rel $0x88, $3  }
0x1: {  	(tag) =	ssettag $0x0;
	lr =	simm.s32 $0x1  }
0x2: {  	[smem:$0x3F9F] =	sst lr;
	_ =	strace $0xD0000000  }
0x3: {  	_ = 	snop  }
0x4: {  	_ = 	snop  }
0x5: {  	_ = 	snop  }
0x6: {  	_ = 	snop  }
0x7: {  	_ = 	snop  }
__scs_overlays_trampoline_lowered:
0x8: {  	[smem:$0x3FAE] =	sst s0  }
0x9: {  	[smem:$0x3FAF] =	sst s1  }
0xa: {  	[smem:$0x3FB0] =	sst s2  }
0xb: {  	[smem:$0x3FB1] =	sst s3  }
0xc: {  	[smem:$0x3FB2] =	sst s4  }
0xd: {  	[smem:$0x3FB3] =	sst s5  }
0xe: {  	[smem:$0x3FB4] =	sst s6  }
0xf: {  	[smem:$0x3FB5] =	sst s7  }
0x10: {  	[smem:$0x3FB6] =	sst s8  }
0x11: {  	[smem:$0x3FB7] =	sst s9;
	s0 =	simm.s32 @!p0 $0x0  }
0x12: {  	s1 =	sld [smem:$0x3F9D];
	s0 =	simm.s32 @p0 $0x1  }
0x13: {  	[smem:$0x3FB8] =	sst s0;
	s0 =	simm.s32 @!p1 $0x0  }
0x14: {  	s2 =	sld [smem:$0x3F9C];
	s0 =	simm.s32 @p1 $0x1  }
0x15: {  	[smem:$0x3FB9] =	sst s0;
	s0 =	simm.s32 @!p2 $0x0  }
0x16: {  	s3 =	sld [smem:$0x3FDB];
	s0 =	simm.s32 @p2 $0x1  }
0x17: {  	s4 =	simm.s32 $0x1BF5;
	[smem:$0x3FBB] =	sst s0  }
0x18: {  	s0 =	sld [smem:$0x3F9E];
	_ =	swait.ge [sflag:s4], $0x0  }
0x19: {  	s7 =	sld [smem:$0x3F9F]  }
0x1a: {  	s8 =	sadd.s32 $0xFFFFE003, lr  }
0x1b: {  	s9 =	sadd.s32 $0xFFFFFEF7, lr;
	s5 =	simm.s32 $0xFFFFFFFF;
	p2 =	slt.u32 s8, $0xFFFFF086  }
0x1c: {  	p1 =	slt.u32 s9, $0xF7A;
	s5 =	simm.s32 @!p2 $0x0  }
0x1d: {  	s5 =	simm.s32 @p1 $0x1;
	p0 =	seq.s32 s7, s2  }
0x1e: {  	s7 =	smul.u32 @!p0 $0xF7A, s2;
	p2 =	seq.s32 @!p0 s5, $0x0  }
0x1f: {  	s9 =	smul.u32 $0xF7A, s1;
	s8 =	simm.s32 @!p0 $0x1BF5;
	p2 =	por !p2, p0  }
0x20: {  	[sflag:s8] =	ssyncset.s32 @!p0 $0xFFFFF086;
	s6 =	sadd.s32 @!p0 s3, s7;
	s7 =	simm.s32 @!p0 $0x108  }
0x21: {  	s3 =	sadd.s32 s3, s9;
	s6 =	sadd.s32 @!p0 $0x88, s6;
	s7 =	simm.s32 @p2 $0x1082  }
0x22: {  	[simem:s7], [sflag:s8] =	dma.local @!p0 [hbm:s6], $0xF7A  }
0x23: {  	s9 =	sor.u32 $0xD0000000, s2;
	s6 =	simm.s32 $0x108;
	_ =	swait.ge @!p0 [sflag:s8], $0x0  }
0x24: {  	s3 =	sadd.s32 $0x88, s3;
	s6 =	simm.s32 @!p1 $0x1082;
	[sflag:s4] =	ssyncset.s32 $0xFFFFF086  }
0x25: {  	[simem:s6], [sflag:s4] =	dma.local [hbm:s3], $0xF7A  }
0x26: {  	[smem:$0x3F9F] =	sst s1;
	(tag) =	ssettag s2;
	_ =	strace s9  }
0x27: {  	s1 =	sld [smem:$0x3FAF]  }
0x28: {  	s2 =	sld [smem:$0x3FB0]  }
0x29: {  	s4 =	sld [smem:$0x3FB2]  }
0x2a: {  	p0 =	seq.s32 s5, $0x0;
	s5 =	sld [smem:$0x3FB3]  }
0x2b: {  	s6 =	sld [smem:$0x3FB4]  }
0x2c: {  	s7 =	sld [smem:$0x3FB5]  }
0x2d: {  	s3 =	simm.s32 $0x108;
	s8 =	sld [smem:$0x3FB6]  }
0x2e: {  	s3 =	simm.s32 @!p0 $0x1082;
	s9 =	sld [smem:$0x3FB7]  }
0x2f: {  	lr =	sadd.s32 s0, s3;
	s0 =	sld [smem:$0x3FAE]  }
0x30: {  	s3 =	sld [smem:$0x3FB1]  }
0x31: {  	[smem:$0x3FBA] =	sst s10  }
0x32: {  	s10 =	sld [smem:$0x3FB8];
	_ =	sdelay $0x3  }
0x33: {  	p0 =	seq.s32 s10, $0x1;
	s10 =	sld [smem:$0x3FBA];
	_ =	sdelay $0x3  }
0x34: {  	[smem:$0x3FBA] =	sst s10  }
0x35: {  	s10 =	sld [smem:$0x3FB9];
	_ =	sdelay $0x3  }
0x36: {  	p1 =	seq.s32 s10, $0x1;
	s10 =	sld [smem:$0x3FBA];
	_ =	sdelay $0x3  }
0x37: {  	[smem:$0x3FBA] =	sst s10  }
0x38: {  	s10 =	sld [smem:$0x3FBB]  }
0x39: {  	_ = 	snop;
	(pc) =	sbr.ind lr, $3  }
0x3a: {  	_ = 	snop  }
0x3b: {  	_ = 	snop  }
0x3c: {  	p2 =	seq.s32 s10, $0x1;
	s10 =	sld [smem:$0x3FBA]  }
0x3d: {  	_ =	shalt  }
0x3e: {  	_ =	shalt  }
0x3f: {  	_ =	shalt  }
0x40: {  	_ =	shalt  }
0x41: {  	_ =	shalt  }
0x42: {  	_ =	shalt  }
0x43: {  	_ =	shalt  }
0x44: {  	_ =	shalt  }
0x45: {  	_ =	shalt  }
0x46: {  	_ =	shalt  }
0x47: {  	_ =	shalt  }
0x48: {  	_ =	shalt  }
0x49: {  	_ =	shalt  }
0x4a: {  	_ =	shalt  }
0x4b: {  	_ =	shalt  }
0x4c: {  	_ =	shalt  }
0x4d: {  	_ =	shalt  }
0x4e: {  	_ =	shalt  }
0x4f: {  	_ =	shalt  }
0x50: {  	_ =	shalt  }
0x51: {  	_ =	shalt  }
0x52: {  	_ =	shalt  }
0x53: {  	_ =	shalt  }
0x54: {  	_ =	shalt  }
0x55: {  	_ =	shalt  }
0x56: {  	_ =	shalt  }
0x57: {  	_ =	shalt  }
0x58: {  	_ =	shalt  }
0x59: {  	_ =	shalt  }
0x5a: {  	_ =	shalt  }
0x5b: {  	_ =	shalt  }
0x5c: {  	_ =	shalt  }
0x5d: {  	_ =	shalt  }
0x5e: {  	_ =	shalt  }
0x5f: {  	_ =	shalt  }
0x60: {  	_ =	shalt  }
0x61: {  	_ =	shalt  }
0x62: {  	_ =	shalt  }
0x63: {  	_ =	shalt  }
0x64: {  	_ =	shalt  }
0x65: {  	_ =	shalt  }
0x66: {  	_ =	shalt  }
0x67: {  	_ =	shalt  }
0x68: {  	_ =	shalt  }
0x69: {  	_ =	shalt  }
0x6a: {  	_ =	shalt  }
0x6b: {  	_ =	shalt  }
0x6c: {  	_ =	shalt  }
0x6d: {  	_ =	shalt  }
0x6e: {  	_ =	shalt  }
0x6f: {  	_ =	shalt  }
0x70: {  	_ =	shalt  }
0x71: {  	_ =	shalt  }
0x72: {  	_ =	shalt  }
0x73: {  	_ =	shalt  }
0x74: {  	_ =	shalt  }
0x75: {  	_ =	shalt  }
0x76: {  	_ =	shalt  }
0x77: {  	_ =	shalt  }
0x78: {  	_ =	shalt  }
0x79: {  	_ =	shalt  }
0x7a: {  	_ =	shalt  }
0x7b: {  	_ =	shalt  }
0x7c: {  	_ =	shalt  }
0x7d: {  	_ =	shalt  }
0x7e: {  	_ =	shalt  }
0x7f: {  	_ =	shalt  }
0x80: {  	_ =	shalt  }
0x81: {  	_ =	shalt  }
0x82: {  	_ =	shalt  }
0x83: {  	_ =	shalt  }
0x84: {  	_ =	shalt  }
0x85: {  	_ =	shalt  }
0x86: {  	_ =	shalt  }
0x87: {  	_ =	shalt  }
.Lfunc_end0:
.L_simem_size_0:
called_computation_lowered:
.L_overlay_start_0:
0x88: {  	s2 =	sld [smem:$0x3FD9]  }
0x89: {  	s3 =	sld [smem:$0x3FFE];
	_ =	sdelay $0x1  }
0x8a: {  	s1 =	srdreg.scid  }
0x8b: {  	s0 =	sand.u32 $0x1, s1  }
0x8c: {  	s18 =	sshll.u32 s0, $0xA;
	s2 =	sadd.s32 s3, s2  }
0x8d: {  	s2 =	sadd.s32 s2, s18  }
0x8e: {  	[smem:$0x3FC6] =	sst s2  }
0x8f: {  	_ = 	snop  }
0x90: {  	s2 =	sld [smem:$0x3FC9]  }
0x91: {  	s19 =	sld [smem:$0x3FC8]  }
0x92: {  	s4 =	sld [smem:$0x3FD0];
	(tm) =	ssettm $0x1  }
0x93: {  	s5 =	sld [smem:$0x3FFB];
	_ =	sdelay $0x3  }
0x94: {  	_ =	strace s5  }
0x95: {  	s5 =	sld [smem:$0x3FFC];
	_ =	sdelay $0x3  }
0x96: {  	_ =	strace s5  }
0x97: {  	s5 =	sld [smem:$0x3FFD];
	_ =	sdelay $0x3  }
0x98: {  	_ =	strace s5  }
0x99: {  	_ =	strace $0x8FFFFFFF  }
0x9a: {  	s20 =	sld [smem:$0x3FDB];
	_ =	sdelay $0x1  }
0x9b: {  	s6 =	simm.s32 $_scs_section_size  }
0x9c: {  	s7 =	simm.s32 $_size__tile_overlayer_lowered;
	s8 =	simm.s32 $_tile_overlayer_lowered  }
0x9d: {  	s23 =	simm.s32 $0x1BFF;
	s22 =	sshll.u32 s8, $0x1;
	s5 =	sadd.s32 s6, s20  }
0x9e: {  	s9 =	simm.s32 $0x0;
	s21 =	sshll.u32 s7, $0x1;
	s7 =	sadd.s32 s22, s5  }
0x9f: {  	[timem:s9], [sflag:s23] =	dma.local [hbm:s7], s21  }
0xa0: {  	_ =	swait.ge [sflag:s23], s21  }
0xa1: {  	s6 =	ssub.s32 $0x0, s21;
	[sflag:s23] =	ssyncset.done $0x0  }
0xa2: {  	[sflag:s23] =	ssyncadd.s32 s6;
	_ =	sdelay $0x1  }
0xa3: {  	s24 =	simm.s32 $0x1B8B  }
0xa4: {  	_ =	swait.ge [sflag:s24], $0x1  }
0xa5: {  	[sflag:s24] =	ssyncset.done $0x0  }
0xa6: {  	s25 =	simm.s32 $0x1B8E;
	[sflag:s24] =	ssyncadd.s32 $0xFFFFFFFF  }
0xa7: {  	s26 =	simm.s32 $execute0_lowered;
	[smem:$0x3FD2] =	sst s25  }
0xa8: {  	s6 =	sshll.u32 s26, $0x1;
	_ =	strace $0x80000046;
	[dreg:$0x1] =	wrdreg $0xFFFFFFFF  }
0xa9: {  	s28 =	simm.s32 $_size_execute0_lowered;
	s5 =	sadd.s32 s5, s6;
	[dreg:$0x0] =	wrdreg $0x0  }
0xaa: {  	s6 =	sshll.u32 s28, $0x1;
	[dreg:$0x2] =	wrdreg s5  }
0xab: {  	[dreg:$0x3] =	wrdreg s6  }
0xac: {  	[dreg:$0x4] =	wrdreg $0xC0  }
0xad: {  	_ =	task [dreg:s9], $0x5FFFF  }
0xae: {  	[dreg:$0x1] =	wrdreg $0xFFFFFFFF  }
0xaf: {  	[dreg:$0x0] =	wrdreg $0x60  }
0xb0: {  	[dreg:$0x2] =	wrdreg s2  }
0xb1: {  	[dreg:$0x3] =	wrdreg s19  }
0xb2: {  	[dreg:$0x4] =	wrdreg s4  }
0xb3: {  	[dreg:$0x5] =	wrdreg $0x9  }
0xb4: {  	_ =	task.clear_ibuf [dreg:s9], $0x6FFFF;
	_ =	strace $0x90000046  }
0xb5: {  	s29 =	simm.s32 $0x9;
	_ =	strace $0x80000048  }
0xb6: {  	_ =	swait.ge [sflag:s29], $0x1  }
0xb7: {  	[sflag:s29] =	ssyncadd.s32 $0xFFFFFFFF  }
0xb8: {  	_ =	strace $0x90000048  }
0xb9: {  	_ =	sfence  }
0xba: {  	s30 =	sld [smem:$0x0];
	_ =	sdelay $0x2  }
0xbb: {  	s31 =	sshll.u32 s1, $0xD;
	s1 =	sshrl.u32 s1, $0x2  }
0xbc: {  	s3 =	sand.u32 $0x4000, s31;
	s1 =	sadd.s32 s1, s30  }
0xbd: {  	s0 =	sor.u32 s3, s0;
	s1 =	sshll.u32 s1, $0x11  }
0xbe: {  	s0 =	sor.u32 s1, s0  }
0xbf: {  	s0 =	sadd.s32 $0x8F2B, s0  }
0xc0: {  	[sflag:s0] =	ssyncadd.remote.s32 $0x1  }
0xc1: {  	_ =	sfence.sel $0xFFFF  }
0xc2: {  	[dreg:$0x0] =	wrdreg $0xFFFFFFFF;
	(pc) =	sbr.abs _section_cstart, $3  }
0xc3: {  	[dreg:$0x1] =	wrdreg $0xFFFFFFFF  }
0xc4: {  	_ =	task.clear_ibuf [dreg:s9], $0x2FFFF;
	_ =	strace $0x9FFFFFFF  }
0xc5: {  	(tm) =	ssettm $0x7FFFFFFF  }
tec
execute0_lowered:
.L_overlay_start_1:
0x0: {  	(tag) =	ssettag $0x1  }
0x1: {  	s2 =	rddreg [dreg:$0x0]  }
0x2: {  	s13 =	rddreg [dreg:$0x1]  }
0x3: {  	s0 =	srdreg.scid;
	s4 =	rddreg [dreg:$0x2]  }
0x4: {  	s1 =	stileid.u32;
	s5 =	simm.s32 $0x0;
	s14 =	simm.s32 $0xC000  }
0x5: {  	s17 =	simm.s32 $0x3;
	s18 =	simm.s32 $0x10000;
	s19 =	simm.s32 $0x4  }
0x6: {  	s20 =	simm.s32 $0x14000;
	s21 =	simm.s32 $0x5;
	s22 =	simm.s32 $0x7  }
0x7: {  	s23 =	simm.s32 $0x6;
	s0 =	sand.u32 $0x1, s0;
	s1 =	sshll.u32 s1, $0x9  }
0x8: {  	[smem:$0x7FF] =	sst s5;
	s30 =	sadd.s32 $0x100000, s4;
	s3 =	sshll.u32 s0, $0x8  }
0x9: {  	s0 =	ssub.s32 $0x2, s0;
	_ =	strace $0x80000047;
	s6 =	sor.u32 s3, s1  }
0xa: {  	[dreg:$0x8] =	wrdreg s30;
	s26 =	sshrl.u32 s0, $0x1;
	s3 =	sshll.u32 s6, $0x7  }
0xb: {  	[dreg:$0x4] =	wrdreg s6;
	s31 =	sor.u32 $0x20, s6;
	s29 =	sadd.s32 s2, s3  }
.Ltmp0:
0xc: {  	s3 =	sadd.s32 s13, s3;
	[dreg:$0x9] =	wrdreg s31;
	(pc) =	sbr.rel .LBB2_1-.Ltmp0, $4  }
0xd: {  	s24 =	simm.s32 $0x8;
	s0 =	ssub.s32 s0, s26;
	[dreg:$0x6] =	wrdreg s3  }
0xe: {  	s25 =	simm.s32 $0x2;
	s0 =	smax.u32 s0, $0x1;
	[dreg:$0x5] =	wrdreg s29  }
0xf: {  	s28 =	simm.s32 $0xA;
	s1 =	sadd.s32 $0x100000, s29;
	[dreg:$0xa] =	wrdreg s0  }
0x10: {  	s26 =	simm.s32 $0x9;
	[dreg:$0x7] =	wrdreg s1;
	s1 =	simm.s32 $0x0  }
.LBB2_36:
0x11: {  	_ =	swait.ge [sflag:s26], $0x4000  }
0x12: {  	[sflag:s26] =	ssyncset.done $0x0  }
0x13: {  	[sflag:s26] =	ssyncadd.s32 $0xFFFFC000  }
0x14: {  	_ =	swait.ge [sflag:s28], $0x4000  }
0x15: {  	s1 =	rddreg [dreg:$0xb]  }
0x16: {  	s0 =	rddreg [dreg:$0xa];
	s1 =	sadd.s32 $0x1, s1  }
0x17: {  	p0 =	sne.s32 s1, s0  }
.Ltmp1:
0x18: {  	_ = 	snop;
	(pc) =	sbr.rel @!p0 .LBB2_37-.Ltmp1, $3  }
0x19: {  	_ =	sdelay $0x1  }
0x1a: {  	[sflag:s28] =	ssyncset.done $0x0  }
0x1b: {  	[sflag:s28] =	ssyncadd.s32 $0xFFFFC000  }
.LBB2_1:
0x1c: {  	[dreg:$0xb] =	wrdreg s1  }
0x1d: {  	s0 =	rddreg [dreg:$0x6]  }
0x1e: {  	[tilespmem:s5], [sflag:$0x1] =	stream.linear.gather [hbm4b:s0+s5], $0x4000, $0x38;
	[tilespmem:$0x18000] =	vst v63  }
0x1f: {  	s16 =	rddreg [dreg:$0x5];
	s29 =	simm.s32 $0x8000  }
0x20: {  	[tilespmem:s29], [sflag:$0x3] =	stream.linear.gather [hbm4b:s16+s5], $0x4000, $0x38;
	[tilespmem:$0x18000] =	vst v63  }
0x21: {  	s31 =	rddreg [dreg:$0x7];
	s30 =	simm.s32 $0x0  }
0x22: {  	[tilespmem:s14], [sflag:$0x4] =	stream.linear.gather [hbm4b:s31+s5], $0x4000, $0x38;
	[tilespmem:$0x18000] =	vst v63  }
.LBB2_2:
0x23: {  	s8 =	sshll.u32 s30, $0x5;
	s0 =	rddreg [dreg:$0x4]  }
0x24: {  	s3 =	simm.s32 $0x1;
	s0 =	sor.u32 s8, s0  }
0x25: {  	_ =	swait.ge [sflag:s3], $0x4000;
	s31 =	sshll.u32 s0, $0x7  }
0x26: {  	s6 =	simm.s32 $0x4000;
	[sflag:s3] =	ssyncset.done $0x0;
	s1 =	sor.u32 $0x800, s31  }
0x27: {  	s0 =	simm.s32 $0x0;
	[sflag:s3] =	ssyncadd.s32 $0xFFFFC000;
	s29 =	sadd.s32 s13, s1  }
0x28: {  	[tilespmem:s6], [sflag:$0x2] =	stream.linear.gather [hbm4b:s29+s0], $0x4000, $0x38;
	[tilespmem:$0x18000] =	vst v63  }
0x29: {  	_ =	swait.ge [sflag:s17], $0x4000  }
0x2a: {  	[sflag:s17] =	ssyncset.done $0x0  }
0x2b: {  	s12 =	simm.s32 $0x0;
	s3 =	simm.s32 $0x0;
	[sflag:s17] =	ssyncadd.s32 $0xFFFFC000  }
.LBB2_3:
0x2c: {  	s6 =	sand.u32 $0x7, s12  }
0x2d: {  	s6 =	sshll.u32 s6, $0x9  }
0x2e: {  	s6 =	sshrl.u32 s6, $0x2  }
0x2f: {  	v0 =	vmov s6;
	_ =	sdelay $0x2  }
0x30: {  	s7 =	sand.u32 $0x3FFFE000, s0  }
0x31: {  	s11 =	sor.u32 $0x40, s7  }
0x32: {  	v1 =	vld.idx.msk [tilespmem:v0+s11+$0x30 ss:$0x1], $0xffff  }
0x33: {  	v2 =	vld.idx.msk [tilespmem:v0+s11+$0xFFFFFFD0 ss:$0x1], $0xffff  }
0x34: {  	v3 =	vld.idx.msk [tilespmem:v0+s11+$0xFFFFFFE0 ss:$0x1], $0xffff  }
0x35: {  	v4 =	vld.idx.msk [tilespmem:v0+s11+$0xFFFFFFF0 ss:$0x1], $0xffff  }
0x36: {  	v5 =	vld.idx.msk [tilespmem:v0+s11+$0x0 ss:$0x1], $0xffff  }
0x37: {  	s9 =	sadd.s32 $0x8000, s7;
	v6 =	vld.idx.msk [tilespmem:v0+s11+$0x10 ss:$0x1], $0xffff  }
0x38: {  	s7 =	sadd.s32 s6, s9;
	v7 =	vld.idx.msk [tilespmem:v0+s11+$0xFFFFFFC0 ss:$0x1], $0xffff  }
0x39: {  	[tilespmem:s7+$0x70] =	vst.add.f32.msk $0xffff, v1  }
0x3a: {  	v1 =	vld.idx.msk [tilespmem:v0+s11+$0x20 ss:$0x1], $0xffff  }
0x3b: {  	[tilespmem:s7+$0x10] =	vst.add.f32.msk $0xffff, v2  }
0x3c: {  	[tilespmem:s7+$0x20] =	vst.add.f32.msk $0xffff, v3  }
0x3d: {  	[tilespmem:s7+$0x30] =	vst.add.f32.msk $0xffff, v4  }
0x3e: {  	[tilespmem:s7+$0x40] =	vst.add.f32.msk $0xffff, v5  }
0x3f: {  	[tilespmem:s7+$0x50] =	vst.add.f32.msk $0xffff, v6  }
0x40: {  	[tilespmem:s7+$0x0] =	vst.add.f32.msk $0xffff, v7  }
0x41: {  	s10 =	simm.s32 $0x0;
	s11 =	sadd.s32 $0x400, s11;
	[tilespmem:s7+$0x60] =	vst.add.f32.msk $0xffff, v1  }
.LBB2_4:
0x42: {  	v1 =	vld.idx.msk [tilespmem:v0+s11+$0x30 ss:$0x1], $0xffff;
	s10 =	sadd.s32 $0x8, s10  }
0x43: {  	v2 =	vld.idx.msk [tilespmem:v0+s11+$0xFFFFFFD0 ss:$0x1], $0xffff;
	p0 =	slt.u32 s10, $0x38  }
0x44: {  	v3 =	vld.idx.msk [tilespmem:v0+s11+$0xFFFFFFE0 ss:$0x1], $0xffff  }
0x45: {  	v4 =	vld.idx.msk [tilespmem:v0+s11+$0xFFFFFFF0 ss:$0x1], $0xffff  }
0x46: {  	s9 =	sadd.s32 $0x400, s9;
	v5 =	vld.idx.msk [tilespmem:v0+s11+$0x0 ss:$0x1], $0xffff  }
0x47: {  	s7 =	sadd.s32 s6, s9;
	v6 =	vld.idx.msk [tilespmem:v0+s11+$0x10 ss:$0x1], $0xffff  }
0x48: {  	[tilespmem:s7+$0x70] =	vst.add.f32.msk $0xffff, v1  }
0x49: {  	v1 =	vld.idx.msk [tilespmem:v0+s11+$0x20 ss:$0x1], $0xffff  }
0x4a: {  	v7 =	vld.idx.msk [tilespmem:v0+s11+$0xFFFFFFC0 ss:$0x1], $0xffff  }
0x4b: {  	[tilespmem:s7+$0x10] =	vst.add.f32.msk $0xffff, v2  }
0x4c: {  	[tilespmem:s7+$0x20] =	vst.add.f32.msk $0xffff, v3  }
.Ltmp2:
0x4d: {  	[tilespmem:s7+$0x30] =	vst.add.f32.msk $0xffff, v4;
	(pc) =	sbr.rel @p0 .LBB2_4-.Ltmp2, $4  }
0x4e: {  	[tilespmem:s7+$0x40] =	vst.add.f32.msk $0xffff, v5  }
0x4f: {  	[tilespmem:s7+$0x50] =	vst.add.f32.msk $0xffff, v6  }
0x50: {  	[tilespmem:s7+$0x0] =	vst.add.f32.msk $0xffff, v7  }
0x51: {  	s11 =	sadd.s32 $0x400, s11;
	[tilespmem:s7+$0x60] =	vst.add.f32.msk $0xffff, v1  }
0x52: {  	s3 =	sadd.s32 $0x1, s3  }
0x53: {  	p0 =	sne.s32 s3, $0x10  }
.Ltmp3:
0x54: {  	_ = 	snop;
	(pc) =	sbr.rel @p0 .LBB2_3-.Ltmp3, $2  }
0x55: {  	_ =	sdelay $0x2  }
0x56: {  	s12 =	sadd.s32 $0x1, s12;
	s0 =	sadd.s32 $0x400, s0  }
0x57: {  	s0 =	sadd.s32 s4, s31;
	s3 =	simm.s32 $0x8000;
	p0 =	seq.s32 s30, $0x0  }
0x58: {  	[hbm4b:s0+s5] =	stream.linear.scatter [tilespmem:s3], [sflag:$0x7], $0x4000, $0x38;
	[tilespmem:$0x18000] =	vst v63  }
0x59: {  	s0 =	simm.s32 @!p0 $0x9  }
0x5a: {  	_ =	swait.ge @!p0 [sflag:s0], $0x4000  }
0x5b: {  	s12 =	sor.u32 $0x200000, s31;
	[sflag:s0] =	ssyncset.done @!p0 $0x0  }
0x5c: {  	s29 =	simm.s32 $0x0;
	s16 =	sadd.s32 s2, s12;
	[sflag:s0] =	ssyncadd.s32 @!p0 $0xFFFFC000  }
0x5d: {  	[tilespmem:s18], [sflag:$0x5] =	stream.linear.gather [hbm4b:s16+s29], $0x4000, $0x38;
	[tilespmem:$0x18000] =	vst v63  }
0x5e: {  	_ =	swait.ge [sflag:s19], $0x4000  }
0x5f: {  	s3 =	simm.s32 $0x0;
	[sflag:s19] =	ssyncset.done $0x0  }
0x60: {  	s0 =	sshll.u32 s30, $0x1;
	s16 =	simm.s32 $0x0;
	[sflag:s19] =	ssyncadd.s32 $0xFFFFC000  }
.LBB2_7:
0x61: {  	s6 =	sand.u32 $0x7, s16  }
0x62: {  	s6 =	sshll.u32 s6, $0x9  }
0x63: {  	s6 =	sshrl.u32 s6, $0x2  }
0x64: {  	v0 =	vmov s6;
	_ =	sdelay $0x2  }
0x65: {  	s7 =	sand.u32 $0x3FFFE000, s29  }
0x66: {  	s11 =	sor.u32 $0x40, s7  }
0x67: {  	v1 =	vld.idx.msk [tilespmem:v0+s11+$0x30 ss:$0x1], $0xffff  }
0x68: {  	v2 =	vld.idx.msk [tilespmem:v0+s11+$0xFFFFFFD0 ss:$0x1], $0xffff  }
0x69: {  	v3 =	vld.idx.msk [tilespmem:v0+s11+$0xFFFFFFE0 ss:$0x1], $0xffff  }
0x6a: {  	v4 =	vld.idx.msk [tilespmem:v0+s11+$0xFFFFFFF0 ss:$0x1], $0xffff  }
0x6b: {  	v5 =	vld.idx.msk [tilespmem:v0+s11+$0x0 ss:$0x1], $0xffff  }
0x6c: {  	s9 =	sadd.s32 $0xC000, s7;
	v6 =	vld.idx.msk [tilespmem:v0+s11+$0x10 ss:$0x1], $0xffff  }
0x6d: {  	s7 =	sadd.s32 s6, s9;
	v7 =	vld.idx.msk [tilespmem:v0+s11+$0xFFFFFFC0 ss:$0x1], $0xffff  }
0x6e: {  	[tilespmem:s7+$0x70] =	vst.add.f32.msk $0xffff, v1  }
0x6f: {  	v1 =	vld.idx.msk [tilespmem:v0+s11+$0x20 ss:$0x1], $0xffff  }
0x70: {  	[tilespmem:s7+$0x10] =	vst.add.f32.msk $0xffff, v2  }
0x71: {  	[tilespmem:s7+$0x20] =	vst.add.f32.msk $0xffff, v3  }
0x72: {  	[tilespmem:s7+$0x30] =	vst.add.f32.msk $0xffff, v4  }
0x73: {  	[tilespmem:s7+$0x40] =	vst.add.f32.msk $0xffff, v5  }
0x74: {  	[tilespmem:s7+$0x50] =	vst.add.f32.msk $0xffff, v6  }
0x75: {  	[tilespmem:s7+$0x0] =	vst.add.f32.msk $0xffff, v7  }
0x76: {  	s10 =	simm.s32 $0x0;
	s11 =	sadd.s32 $0x400, s11;
	[tilespmem:s7+$0x60] =	vst.add.f32.msk $0xffff, v1  }
.LBB2_8:
0x77: {  	v1 =	vld.idx.msk [tilespmem:v0+s11+$0x30 ss:$0x1], $0xffff;
	s10 =	sadd.s32 $0x8, s10  }
0x78: {  	v2 =	vld.idx.msk [tilespmem:v0+s11+$0xFFFFFFD0 ss:$0x1], $0xffff;
	p1 =	slt.u32 s10, $0x38  }
0x79: {  	v3 =	vld.idx.msk [tilespmem:v0+s11+$0xFFFFFFE0 ss:$0x1], $0xffff  }
0x7a: {  	v4 =	vld.idx.msk [tilespmem:v0+s11+$0xFFFFFFF0 ss:$0x1], $0xffff  }
0x7b: {  	s9 =	sadd.s32 $0x400, s9;
	v5 =	vld.idx.msk [tilespmem:v0+s11+$0x0 ss:$0x1], $0xffff  }
0x7c: {  	s7 =	sadd.s32 s6, s9;
	v6 =	vld.idx.msk [tilespmem:v0+s11+$0x10 ss:$0x1], $0xffff  }
0x7d: {  	[tilespmem:s7+$0x70] =	vst.add.f32.msk $0xffff, v1  }
0x7e: {  	v1 =	vld.idx.msk [tilespmem:v0+s11+$0x20 ss:$0x1], $0xffff  }
0x7f: {  	v7 =	vld.idx.msk [tilespmem:v0+s11+$0xFFFFFFC0 ss:$0x1], $0xffff  }
0x80: {  	[tilespmem:s7+$0x10] =	vst.add.f32.msk $0xffff, v2  }
0x81: {  	[tilespmem:s7+$0x20] =	vst.add.f32.msk $0xffff, v3  }
.Ltmp4:
0x82: {  	[tilespmem:s7+$0x30] =	vst.add.f32.msk $0xffff, v4;
	(pc) =	sbr.rel @p1 .LBB2_8-.Ltmp4, $4  }
0x83: {  	[tilespmem:s7+$0x40] =	vst.add.f32.msk $0xffff, v5  }
0x84: {  	[tilespmem:s7+$0x50] =	vst.add.f32.msk $0xffff, v6  }
0x85: {  	[tilespmem:s7+$0x0] =	vst.add.f32.msk $0xffff, v7  }
0x86: {  	s11 =	sadd.s32 $0x400, s11;
	[tilespmem:s7+$0x60] =	vst.add.f32.msk $0xffff, v1  }
0x87: {  	s3 =	sadd.s32 $0x1, s3  }
0x88: {  	p1 =	sne.s32 s3, $0x10  }
.Ltmp5:
0x89: {  	_ = 	snop;
	(pc) =	sbr.rel @p1 .LBB2_7-.Ltmp5, $2  }
0x8a: {  	_ =	sdelay $0x2  }
0x8b: {  	s16 =	sadd.s32 $0x1, s16;
	s29 =	sadd.s32 $0x400, s29  }
0x8c: {  	s3 =	rddreg [dreg:$0x8]  }
0x8d: {  	s3 =	sadd.s32 s31, s3  }
0x8e: {  	[hbm4b:s3+s5] =	stream.linear.scatter [tilespmem:s14], [sflag:$0x8], $0x4000, $0x38;
	[tilespmem:$0x18000] =	vst v63  }
0x8f: {  	s3 =	simm.s32 @!p0 $0xA  }
0x90: {  	_ =	swait.ge @!p0 [sflag:s3], $0x4000  }
0x91: {  	s29 =	sor.u32 $0x300000, s31;
	[sflag:s3] =	ssyncset.done @!p0 $0x0  }
0x92: {  	s16 =	simm.s32 $0x0;
	s15 =	sadd.s32 s2, s29;
	[sflag:s3] =	ssyncadd.s32 @!p0 $0xFFFFC000  }
0x93: {  	[tilespmem:s20], [sflag:$0x6] =	stream.linear.gather [hbm4b:s15+s16], $0x4000, $0x38;
	[tilespmem:$0x18000] =	vst v63  }
0x94: {  	_ =	swait.ge [sflag:s21], $0x4000  }
0x95: {  	[sflag:s21] =	ssyncset.done $0x0  }
0x96: {  	s6 =	simm.s32 $0x0;
	s3 =	simm.s32 $0x0;
	[sflag:s21] =	ssyncadd.s32 $0xFFFFC000  }
.LBB2_11:
0x97: {  	s7 =	sand.u32 $0x7, s3  }
0x98: {  	s7 =	sshll.u32 s7, $0x9  }
0x99: {  	s9 =	sshrl.u32 s7, $0x2  }
0x9a: {  	v0 =	vmov s9;
	_ =	sdelay $0x2  }
0x9b: {  	s11 =	sand.u32 $0x3FFFE000, s16  }
0x9c: {  	s15 =	sor.u32 $0x40, s11  }
0x9d: {  	v1 =	vld.idx.msk [tilespmem:v0+s15+$0x30 ss:$0x1], $0xffff  }
0x9e: {  	v2 =	vld.idx.msk [tilespmem:v0+s15+$0xFFFFFFD0 ss:$0x1], $0xffff  }
0x9f: {  	v3 =	vld.idx.msk [tilespmem:v0+s15+$0xFFFFFFE0 ss:$0x1], $0xffff  }
0xa0: {  	v4 =	vld.idx.msk [tilespmem:v0+s15+$0xFFFFFFF0 ss:$0x1], $0xffff  }
0xa1: {  	v5 =	vld.idx.msk [tilespmem:v0+s15+$0x0 ss:$0x1], $0xffff  }
0xa2: {  	s10 =	sadd.s32 $0x10000, s11;
	v6 =	vld.idx.msk [tilespmem:v0+s15+$0x10 ss:$0x1], $0xffff  }
0xa3: {  	s7 =	sadd.s32 s9, s10;
	v7 =	vld.idx.msk [tilespmem:v0+s15+$0xFFFFFFC0 ss:$0x1], $0xffff  }
0xa4: {  	[tilespmem:s7+$0x70] =	vst.add.f32.msk $0xffff, v1  }
0xa5: {  	v1 =	vld.idx.msk [tilespmem:v0+s15+$0x20 ss:$0x1], $0xffff  }
0xa6: {  	[tilespmem:s7+$0x10] =	vst.add.f32.msk $0xffff, v2  }
0xa7: {  	[tilespmem:s7+$0x20] =	vst.add.f32.msk $0xffff, v3  }
0xa8: {  	[tilespmem:s7+$0x30] =	vst.add.f32.msk $0xffff, v4  }
0xa9: {  	[tilespmem:s7+$0x40] =	vst.add.f32.msk $0xffff, v5  }
0xaa: {  	[tilespmem:s7+$0x50] =	vst.add.f32.msk $0xffff, v6  }
0xab: {  	[tilespmem:s7+$0x0] =	vst.add.f32.msk $0xffff, v7  }
0xac: {  	s11 =	simm.s32 $0x0;
	[tilespmem:s7+$0x60] =	vst.add.f32.msk $0xffff, v1;
	s7 =	sadd.s32 $0x400, s15  }
.LBB2_12:
0xad: {  	v1 =	vld.idx.msk [tilespmem:v0+s7+$0x30 ss:$0x1], $0xffff;
	s11 =	sadd.s32 $0x8, s11  }
0xae: {  	v2 =	vld.idx.msk [tilespmem:v0+s7+$0xFFFFFFD0 ss:$0x1], $0xffff;
	p0 =	slt.u32 s11, $0x38  }
0xaf: {  	v3 =	vld.idx.msk [tilespmem:v0+s7+$0xFFFFFFE0 ss:$0x1], $0xffff  }
0xb0: {  	v4 =	vld.idx.msk [tilespmem:v0+s7+$0xFFFFFFF0 ss:$0x1], $0xffff  }
0xb1: {  	s10 =	sadd.s32 $0x400, s10;
	v5 =	vld.idx.msk [tilespmem:v0+s7+$0x0 ss:$0x1], $0xffff  }
0xb2: {  	s15 =	sadd.s32 s9, s10;
	v6 =	vld.idx.msk [tilespmem:v0+s7+$0x10 ss:$0x1], $0xffff  }
0xb3: {  	[tilespmem:s15+$0x70] =	vst.add.f32.msk $0xffff, v1  }
0xb4: {  	v1 =	vld.idx.msk [tilespmem:v0+s7+$0x20 ss:$0x1], $0xffff  }
0xb5: {  	v7 =	vld.idx.msk [tilespmem:v0+s7+$0xFFFFFFC0 ss:$0x1], $0xffff  }
0xb6: {  	[tilespmem:s15+$0x10] =	vst.add.f32.msk $0xffff, v2  }
0xb7: {  	[tilespmem:s15+$0x20] =	vst.add.f32.msk $0xffff, v3  }
.Ltmp6:
0xb8: {  	[tilespmem:s15+$0x30] =	vst.add.f32.msk $0xffff, v4;
	(pc) =	sbr.rel @p0 .LBB2_12-.Ltmp6, $4  }
0xb9: {  	[tilespmem:s15+$0x40] =	vst.add.f32.msk $0xffff, v5  }
0xba: {  	[tilespmem:s15+$0x50] =	vst.add.f32.msk $0xffff, v6  }
0xbb: {  	[tilespmem:s15+$0x0] =	vst.add.f32.msk $0xffff, v7  }
0xbc: {  	s7 =	sadd.s32 $0x400, s7;
	[tilespmem:s15+$0x60] =	vst.add.f32.msk $0xffff, v1  }
0xbd: {  	s6 =	sadd.s32 $0x1, s6  }
0xbe: {  	p0 =	sne.s32 s6, $0x10  }
.Ltmp7:
0xbf: {  	_ = 	snop;
	(pc) =	sbr.rel @p0 .LBB2_11-.Ltmp7, $2  }
0xc0: {  	_ =	sdelay $0x2  }
0xc1: {  	s3 =	sadd.s32 $0x1, s3;
	s16 =	sadd.s32 $0x400, s16  }
0xc2: {  	s3 =	sadd.s32 s4, s12;
	s12 =	simm.s32 $0x0  }
0xc3: {  	[hbm4b:s3+s12] =	stream.linear.scatter [tilespmem:s18], [sflag:$0x9], $0x4000, $0x38;
	[tilespmem:$0x18000] =	vst v63  }
0xc4: {  	_ =	swait.ge [sflag:s22], $0x4000  }
0xc5: {  	[sflag:s22] =	ssyncset.done $0x0  }
0xc6: {  	s16 =	sadd.s32 s2, s1;
	s6 =	simm.s32 $0x8000;
	[sflag:s22] =	ssyncadd.s32 $0xFFFFC000  }
0xc7: {  	[tilespmem:s6], [sflag:$0x3] =	stream.linear.gather [hbm4b:s16+s12], $0x4000, $0x38;
	[tilespmem:$0x18000] =	vst v63  }
0xc8: {  	_ =	swait.ge [sflag:s23], $0x4000  }
0xc9: {  	[sflag:s23] =	ssyncset.done $0x0  }
0xca: {  	s3 =	simm.s32 $0x0;
	s6 =	simm.s32 $0x0;
	[sflag:s23] =	ssyncadd.s32 $0xFFFFC000  }
.LBB2_15:
0xcb: {  	s7 =	sand.u32 $0x7, s3  }
0xcc: {  	s7 =	sshll.u32 s7, $0x9  }
0xcd: {  	s9 =	sshrl.u32 s7, $0x2  }
0xce: {  	v0 =	vmov s9;
	_ =	sdelay $0x2  }
0xcf: {  	s16 =	sand.u32 $0x3FFFE000, s12  }
0xd0: {  	s15 =	sor.u32 $0x40, s16  }
0xd1: {  	v1 =	vld.idx.msk [tilespmem:v0+s15+$0x30 ss:$0x1], $0xffff  }
0xd2: {  	v2 =	vld.idx.msk [tilespmem:v0+s15+$0xFFFFFFD0 ss:$0x1], $0xffff  }
0xd3: {  	v3 =	vld.idx.msk [tilespmem:v0+s15+$0xFFFFFFE0 ss:$0x1], $0xffff  }
0xd4: {  	v4 =	vld.idx.msk [tilespmem:v0+s15+$0xFFFFFFF0 ss:$0x1], $0xffff  }
0xd5: {  	v5 =	vld.idx.msk [tilespmem:v0+s15+$0x0 ss:$0x1], $0xffff  }
0xd6: {  	s10 =	sadd.s32 $0x14000, s16;
	v6 =	vld.idx.msk [tilespmem:v0+s15+$0x10 ss:$0x1], $0xffff  }
0xd7: {  	s7 =	sadd.s32 s9, s10;
	v7 =	vld.idx.msk [tilespmem:v0+s15+$0xFFFFFFC0 ss:$0x1], $0xffff  }
0xd8: {  	[tilespmem:s7+$0x70] =	vst.add.f32.msk $0xffff, v1  }
0xd9: {  	v1 =	vld.idx.msk [tilespmem:v0+s15+$0x20 ss:$0x1], $0xffff  }
0xda: {  	[tilespmem:s7+$0x10] =	vst.add.f32.msk $0xffff, v2  }
0xdb: {  	[tilespmem:s7+$0x20] =	vst.add.f32.msk $0xffff, v3  }
0xdc: {  	[tilespmem:s7+$0x30] =	vst.add.f32.msk $0xffff, v4  }
0xdd: {  	[tilespmem:s7+$0x40] =	vst.add.f32.msk $0xffff, v5  }
0xde: {  	[tilespmem:s7+$0x50] =	vst.add.f32.msk $0xffff, v6  }
0xdf: {  	[tilespmem:s7+$0x0] =	vst.add.f32.msk $0xffff, v7  }
0xe0: {  	s11 =	simm.s32 $0x0;
	[tilespmem:s7+$0x60] =	vst.add.f32.msk $0xffff, v1;
	s7 =	sadd.s32 $0x400, s15  }
.LBB2_16:
0xe1: {  	v1 =	vld.idx.msk [tilespmem:v0+s7+$0x30 ss:$0x1], $0xffff;
	s11 =	sadd.s32 $0x8, s11  }
0xe2: {  	v2 =	vld.idx.msk [tilespmem:v0+s7+$0xFFFFFFD0 ss:$0x1], $0xffff;
	p0 =	slt.u32 s11, $0x38  }
0xe3: {  	v3 =	vld.idx.msk [tilespmem:v0+s7+$0xFFFFFFE0 ss:$0x1], $0xffff  }
0xe4: {  	v4 =	vld.idx.msk [tilespmem:v0+s7+$0xFFFFFFF0 ss:$0x1], $0xffff  }
0xe5: {  	s10 =	sadd.s32 $0x400, s10;
	v5 =	vld.idx.msk [tilespmem:v0+s7+$0x0 ss:$0x1], $0xffff  }
0xe6: {  	s15 =	sadd.s32 s9, s10;
	v6 =	vld.idx.msk [tilespmem:v0+s7+$0x10 ss:$0x1], $0xffff  }
0xe7: {  	[tilespmem:s15+$0x70] =	vst.add.f32.msk $0xffff, v1  }
0xe8: {  	v1 =	vld.idx.msk [tilespmem:v0+s7+$0x20 ss:$0x1], $0xffff  }
0xe9: {  	v7 =	vld.idx.msk [tilespmem:v0+s7+$0xFFFFFFC0 ss:$0x1], $0xffff  }
0xea: {  	[tilespmem:s15+$0x10] =	vst.add.f32.msk $0xffff, v2  }
0xeb: {  	[tilespmem:s15+$0x20] =	vst.add.f32.msk $0xffff, v3  }
.Ltmp8:
0xec: {  	[tilespmem:s15+$0x30] =	vst.add.f32.msk $0xffff, v4;
	(pc) =	sbr.rel @p0 .LBB2_16-.Ltmp8, $4  }
0xed: {  	[tilespmem:s15+$0x40] =	vst.add.f32.msk $0xffff, v5  }
0xee: {  	[tilespmem:s15+$0x50] =	vst.add.f32.msk $0xffff, v6  }
0xef: {  	[tilespmem:s15+$0x0] =	vst.add.f32.msk $0xffff, v7  }
0xf0: {  	s7 =	sadd.s32 $0x400, s7;
	[tilespmem:s15+$0x60] =	vst.add.f32.msk $0xffff, v1  }
0xf1: {  	s6 =	sadd.s32 $0x1, s6  }
0xf2: {  	p0 =	sne.s32 s6, $0x10  }
.Ltmp9:
0xf3: {  	_ = 	snop;
	(pc) =	sbr.rel @p0 .LBB2_15-.Ltmp9, $2  }
0xf4: {  	_ =	sdelay $0x2  }
0xf5: {  	s3 =	sadd.s32 $0x1, s3;
	s12 =	sadd.s32 $0x400, s12  }
0xf6: {  	s3 =	sadd.s32 s4, s29  }
0xf7: {  	[hbm4b:s3+s5] =	stream.linear.scatter [tilespmem:s20], [sflag:$0xA], $0x4000, $0x38;
	[tilespmem:$0x18000] =	vst v63  }
0xf8: {  	_ =	swait.ge [sflag:s24], $0x4000  }
0xf9: {  	s12 =	sor.u32 $0x100800, s31;
	[sflag:s24] =	ssyncset.done $0x0  }
0xfa: {  	s29 =	sadd.s32 s2, s12;
	[sflag:s24] =	ssyncadd.s32 $0xFFFFC000  }
0xfb: {  	[tilespmem:s14], [sflag:$0x4] =	stream.linear.gather [hbm4b:s29+s5], $0x4000, $0x38;
	[tilespmem:$0x18000] =	vst v63  }
0xfc: {  	_ =	swait.ge [sflag:s25], $0x4000  }
0xfd: {  	p0 =	seq.s32 s30, $0x7;
	s3 =	rddreg [dreg:$0x9]  }
0xfe: {  	s3 =	sadd.s32 @!p0 s8, s3  }
0xff: {  	[sflag:s25] =	ssyncset.done $0x0;
	s3 =	sshll.u32 @!p0 s3, $0x7  }
0x100: {  	s6 =	simm.s32 @!p0 $0x0;
	[sflag:s25] =	ssyncadd.s32 $0xFFFFC000;
	s3 =	sadd.s32 @!p0 s13, s3  }
0x101: {  	[tilespmem:s6], [sflag:$0x1] =	stream.linear.gather @!p0 [hbm4b:s3+s6], $0x4000, $0x38;
	[tilespmem:$0x18000] =	vst v63  }
0x102: {  	_ =	swait.ge [sflag:s17], $0x4000  }
0x103: {  	s8 =	simm.s32 $0x0;
	[sflag:s17] =	ssyncset.done $0x0  }
0x104: {  	s3 =	simm.s32 $0x0;
	s6 =	simm.s32 $0x0;
	[sflag:s17] =	ssyncadd.s32 $0xFFFFC000  }
.LBB2_19:
0x105: {  	s7 =	sand.u32 $0x7, s3  }
0x106: {  	s7 =	sshll.u32 s7, $0x9  }
0x107: {  	s9 =	sshrl.u32 s7, $0x2  }
0x108: {  	v0 =	vmov s9;
	_ =	sdelay $0x2  }
0x109: {  	s29 =	sand.u32 $0x3FFFE000, s8  }
0x10a: {  	s15 =	sadd.s32 $0x4040, s29  }
0x10b: {  	v1 =	vld.idx.msk [tilespmem:v0+s15+$0x30 ss:$0x1], $0xffff  }
0x10c: {  	v2 =	vld.idx.msk [tilespmem:v0+s15+$0xFFFFFFD0 ss:$0x1], $0xffff  }
0x10d: {  	v3 =	vld.idx.msk [tilespmem:v0+s15+$0xFFFFFFE0 ss:$0x1], $0xffff  }
0x10e: {  	v4 =	vld.idx.msk [tilespmem:v0+s15+$0xFFFFFFF0 ss:$0x1], $0xffff  }
0x10f: {  	v5 =	vld.idx.msk [tilespmem:v0+s15+$0x0 ss:$0x1], $0xffff  }
0x110: {  	s10 =	sadd.s32 $0x8000, s29;
	v6 =	vld.idx.msk [tilespmem:v0+s15+$0x10 ss:$0x1], $0xffff  }
0x111: {  	s7 =	sadd.s32 s9, s10;
	v7 =	vld.idx.msk [tilespmem:v0+s15+$0xFFFFFFC0 ss:$0x1], $0xffff  }
0x112: {  	[tilespmem:s7+$0x70] =	vst.add.f32.msk $0xffff, v1  }
0x113: {  	v1 =	vld.idx.msk [tilespmem:v0+s15+$0x20 ss:$0x1], $0xffff  }
0x114: {  	[tilespmem:s7+$0x10] =	vst.add.f32.msk $0xffff, v2  }
0x115: {  	[tilespmem:s7+$0x20] =	vst.add.f32.msk $0xffff, v3  }
0x116: {  	[tilespmem:s7+$0x30] =	vst.add.f32.msk $0xffff, v4  }
0x117: {  	[tilespmem:s7+$0x40] =	vst.add.f32.msk $0xffff, v5  }
0x118: {  	[tilespmem:s7+$0x50] =	vst.add.f32.msk $0xffff, v6  }
0x119: {  	[tilespmem:s7+$0x0] =	vst.add.f32.msk $0xffff, v7  }
0x11a: {  	s11 =	simm.s32 $0x0;
	[tilespmem:s7+$0x60] =	vst.add.f32.msk $0xffff, v1;
	s7 =	sadd.s32 $0x400, s15  }
.LBB2_20:
0x11b: {  	v1 =	vld.idx.msk [tilespmem:v0+s7+$0x30 ss:$0x1], $0xffff;
	s11 =	sadd.s32 $0x8, s11  }
0x11c: {  	v2 =	vld.idx.msk [tilespmem:v0+s7+$0xFFFFFFD0 ss:$0x1], $0xffff;
	p1 =	slt.u32 s11, $0x38  }
0x11d: {  	v3 =	vld.idx.msk [tilespmem:v0+s7+$0xFFFFFFE0 ss:$0x1], $0xffff  }
0x11e: {  	v4 =	vld.idx.msk [tilespmem:v0+s7+$0xFFFFFFF0 ss:$0x1], $0xffff  }
0x11f: {  	s10 =	sadd.s32 $0x400, s10;
	v5 =	vld.idx.msk [tilespmem:v0+s7+$0x0 ss:$0x1], $0xffff  }
0x120: {  	s15 =	sadd.s32 s9, s10;
	v6 =	vld.idx.msk [tilespmem:v0+s7+$0x10 ss:$0x1], $0xffff  }
0x121: {  	[tilespmem:s15+$0x70] =	vst.add.f32.msk $0xffff, v1  }
0x122: {  	v1 =	vld.idx.msk [tilespmem:v0+s7+$0x20 ss:$0x1], $0xffff  }
0x123: {  	v7 =	vld.idx.msk [tilespmem:v0+s7+$0xFFFFFFC0 ss:$0x1], $0xffff  }
0x124: {  	[tilespmem:s15+$0x10] =	vst.add.f32.msk $0xffff, v2  }
0x125: {  	[tilespmem:s15+$0x20] =	vst.add.f32.msk $0xffff, v3  }
.Ltmp10:
0x126: {  	[tilespmem:s15+$0x30] =	vst.add.f32.msk $0xffff, v4;
	(pc) =	sbr.rel @p1 .LBB2_20-.Ltmp10, $4  }
0x127: {  	[tilespmem:s15+$0x40] =	vst.add.f32.msk $0xffff, v5  }
0x128: {  	[tilespmem:s15+$0x50] =	vst.add.f32.msk $0xffff, v6  }
0x129: {  	[tilespmem:s15+$0x0] =	vst.add.f32.msk $0xffff, v7  }
0x12a: {  	s7 =	sadd.s32 $0x400, s7;
	[tilespmem:s15+$0x60] =	vst.add.f32.msk $0xffff, v1  }
0x12b: {  	s6 =	sadd.s32 $0x1, s6  }
0x12c: {  	p1 =	sne.s32 s6, $0x10  }
.Ltmp11:
0x12d: {  	_ = 	snop;
	(pc) =	sbr.rel @p1 .LBB2_19-.Ltmp11, $2  }
0x12e: {  	_ =	sdelay $0x2  }
0x12f: {  	s3 =	sadd.s32 $0x1, s3;
	s8 =	sadd.s32 $0x400, s8  }
0x130: {  	s3 =	sadd.s32 s4, s1;
	s1 =	simm.s32 $0x0;
	s6 =	simm.s32 $0x8000  }
0x131: {  	[hbm4b:s3+s1] =	stream.linear.scatter [tilespmem:s6], [sflag:$0x7], $0x4000, $0x38;
	[tilespmem:$0x18000] =	vst v63  }
0x132: {  	_ =	swait.ge [sflag:s26], $0x4000  }
0x133: {  	s8 =	sor.u32 $0x200800, s31;
	[sflag:s26] =	ssyncset.done $0x0  }
0x134: {  	s29 =	sadd.s32 s2, s8;
	[sflag:s26] =	ssyncadd.s32 $0xFFFFC000  }
0x135: {  	[tilespmem:s18], [sflag:$0x5] =	stream.linear.gather [hbm4b:s29+s1], $0x4000, $0x38;
	[tilespmem:$0x18000] =	vst v63  }
0x136: {  	_ =	swait.ge [sflag:s19], $0x4000  }
0x137: {  	[sflag:s19] =	ssyncset.done $0x0  }
0x138: {  	s3 =	simm.s32 $0x0;
	s6 =	simm.s32 $0x0;
	[sflag:s19] =	ssyncadd.s32 $0xFFFFC000  }
.LBB2_23:
0x139: {  	s7 =	sand.u32 $0x7, s3  }
0x13a: {  	s7 =	sshll.u32 s7, $0x9  }
0x13b: {  	s9 =	sshrl.u32 s7, $0x2  }
0x13c: {  	v0 =	vmov s9;
	_ =	sdelay $0x2  }
0x13d: {  	s29 =	sand.u32 $0x3FFFE000, s1  }
0x13e: {  	s15 =	sadd.s32 $0x4040, s29  }
0x13f: {  	v1 =	vld.idx.msk [tilespmem:v0+s15+$0x30 ss:$0x1], $0xffff  }
0x140: {  	v2 =	vld.idx.msk [tilespmem:v0+s15+$0xFFFFFFD0 ss:$0x1], $0xffff  }
0x141: {  	v3 =	vld.idx.msk [tilespmem:v0+s15+$0xFFFFFFE0 ss:$0x1], $0xffff  }
0x142: {  	v4 =	vld.idx.msk [tilespmem:v0+s15+$0xFFFFFFF0 ss:$0x1], $0xffff  }
0x143: {  	v5 =	vld.idx.msk [tilespmem:v0+s15+$0x0 ss:$0x1], $0xffff  }
0x144: {  	s10 =	sadd.s32 $0xC000, s29;
	v6 =	vld.idx.msk [tilespmem:v0+s15+$0x10 ss:$0x1], $0xffff  }
0x145: {  	s7 =	sadd.s32 s9, s10;
	v7 =	vld.idx.msk [tilespmem:v0+s15+$0xFFFFFFC0 ss:$0x1], $0xffff  }
0x146: {  	[tilespmem:s7+$0x70] =	vst.add.f32.msk $0xffff, v1  }
0x147: {  	v1 =	vld.idx.msk [tilespmem:v0+s15+$0x20 ss:$0x1], $0xffff  }
0x148: {  	[tilespmem:s7+$0x10] =	vst.add.f32.msk $0xffff, v2  }
0x149: {  	[tilespmem:s7+$0x20] =	vst.add.f32.msk $0xffff, v3  }
0x14a: {  	[tilespmem:s7+$0x30] =	vst.add.f32.msk $0xffff, v4  }
0x14b: {  	[tilespmem:s7+$0x40] =	vst.add.f32.msk $0xffff, v5  }
0x14c: {  	[tilespmem:s7+$0x50] =	vst.add.f32.msk $0xffff, v6  }
0x14d: {  	[tilespmem:s7+$0x0] =	vst.add.f32.msk $0xffff, v7  }
0x14e: {  	s11 =	simm.s32 $0x0;
	[tilespmem:s7+$0x60] =	vst.add.f32.msk $0xffff, v1;
	s7 =	sadd.s32 $0x400, s15  }
.LBB2_24:
0x14f: {  	v1 =	vld.idx.msk [tilespmem:v0+s7+$0x30 ss:$0x1], $0xffff;
	s11 =	sadd.s32 $0x8, s11  }
0x150: {  	v2 =	vld.idx.msk [tilespmem:v0+s7+$0xFFFFFFD0 ss:$0x1], $0xffff;
	p1 =	slt.u32 s11, $0x38  }
0x151: {  	v3 =	vld.idx.msk [tilespmem:v0+s7+$0xFFFFFFE0 ss:$0x1], $0xffff  }
0x152: {  	v4 =	vld.idx.msk [tilespmem:v0+s7+$0xFFFFFFF0 ss:$0x1], $0xffff  }
0x153: {  	s10 =	sadd.s32 $0x400, s10;
	v5 =	vld.idx.msk [tilespmem:v0+s7+$0x0 ss:$0x1], $0xffff  }
0x154: {  	s15 =	sadd.s32 s9, s10;
	v6 =	vld.idx.msk [tilespmem:v0+s7+$0x10 ss:$0x1], $0xffff  }
0x155: {  	[tilespmem:s15+$0x70] =	vst.add.f32.msk $0xffff, v1  }
0x156: {  	v1 =	vld.idx.msk [tilespmem:v0+s7+$0x20 ss:$0x1], $0xffff  }
0x157: {  	v7 =	vld.idx.msk [tilespmem:v0+s7+$0xFFFFFFC0 ss:$0x1], $0xffff  }
0x158: {  	[tilespmem:s15+$0x10] =	vst.add.f32.msk $0xffff, v2  }
0x159: {  	[tilespmem:s15+$0x20] =	vst.add.f32.msk $0xffff, v3  }
.Ltmp12:
0x15a: {  	[tilespmem:s15+$0x30] =	vst.add.f32.msk $0xffff, v4;
	(pc) =	sbr.rel @p1 .LBB2_24-.Ltmp12, $4  }
0x15b: {  	[tilespmem:s15+$0x40] =	vst.add.f32.msk $0xffff, v5  }
0x15c: {  	[tilespmem:s15+$0x50] =	vst.add.f32.msk $0xffff, v6  }
0x15d: {  	[tilespmem:s15+$0x0] =	vst.add.f32.msk $0xffff, v7  }
0x15e: {  	s7 =	sadd.s32 $0x400, s7;
	[tilespmem:s15+$0x60] =	vst.add.f32.msk $0xffff, v1  }
0x15f: {  	s6 =	sadd.s32 $0x1, s6  }
0x160: {  	p1 =	sne.s32 s6, $0x10  }
.Ltmp13:
0x161: {  	_ = 	snop;
	(pc) =	sbr.rel @p1 .LBB2_23-.Ltmp13, $2  }
0x162: {  	_ =	sdelay $0x2  }
0x163: {  	s3 =	sadd.s32 $0x1, s3;
	s1 =	sadd.s32 $0x400, s1  }
0x164: {  	s1 =	sadd.s32 s4, s12;
	s12 =	simm.s32 $0x0  }
0x165: {  	[hbm4b:s1+s12] =	stream.linear.scatter [tilespmem:s14], [sflag:$0x8], $0x4000, $0x38;
	[tilespmem:$0x18000] =	vst v63  }
0x166: {  	_ =	swait.ge [sflag:s28], $0x4000  }
0x167: {  	s1 =	sor.u32 $0x300800, s31;
	[sflag:s28] =	ssyncset.done $0x0  }
0x168: {  	s3 =	sadd.s32 s2, s1;
	[sflag:s28] =	ssyncadd.s32 $0xFFFFC000  }
0x169: {  	[tilespmem:s20], [sflag:$0x6] =	stream.linear.gather [hbm4b:s3+s12], $0x4000, $0x38;
	[tilespmem:$0x18000] =	vst v63  }
0x16a: {  	_ =	swait.ge [sflag:s21], $0x4000  }
0x16b: {  	[sflag:s21] =	ssyncset.done $0x0  }
0x16c: {  	s6 =	simm.s32 $0x0;
	s3 =	simm.s32 $0x0;
	[sflag:s21] =	ssyncadd.s32 $0xFFFFC000  }
.LBB2_27:
0x16d: {  	s7 =	sand.u32 $0x7, s3  }
0x16e: {  	s7 =	sshll.u32 s7, $0x9  }
0x16f: {  	s9 =	sshrl.u32 s7, $0x2  }
0x170: {  	v0 =	vmov s9;
	_ =	sdelay $0x2  }
0x171: {  	s31 =	sand.u32 $0x3FFFE000, s12  }
0x172: {  	s15 =	sadd.s32 $0x4040, s31  }
0x173: {  	v1 =	vld.idx.msk [tilespmem:v0+s15+$0x30 ss:$0x1], $0xffff  }
0x174: {  	v2 =	vld.idx.msk [tilespmem:v0+s15+$0xFFFFFFD0 ss:$0x1], $0xffff  }
0x175: {  	v3 =	vld.idx.msk [tilespmem:v0+s15+$0xFFFFFFE0 ss:$0x1], $0xffff  }
0x176: {  	v4 =	vld.idx.msk [tilespmem:v0+s15+$0xFFFFFFF0 ss:$0x1], $0xffff  }
0x177: {  	v5 =	vld.idx.msk [tilespmem:v0+s15+$0x0 ss:$0x1], $0xffff  }
0x178: {  	s10 =	sadd.s32 $0x10000, s31;
	v6 =	vld.idx.msk [tilespmem:v0+s15+$0x10 ss:$0x1], $0xffff  }
0x179: {  	s7 =	sadd.s32 s9, s10;
	v7 =	vld.idx.msk [tilespmem:v0+s15+$0xFFFFFFC0 ss:$0x1], $0xffff  }
0x17a: {  	[tilespmem:s7+$0x70] =	vst.add.f32.msk $0xffff, v1  }
0x17b: {  	v1 =	vld.idx.msk [tilespmem:v0+s15+$0x20 ss:$0x1], $0xffff  }
0x17c: {  	[tilespmem:s7+$0x10] =	vst.add.f32.msk $0xffff, v2  }
0x17d: {  	[tilespmem:s7+$0x20] =	vst.add.f32.msk $0xffff, v3  }
0x17e: {  	[tilespmem:s7+$0x30] =	vst.add.f32.msk $0xffff, v4  }
0x17f: {  	[tilespmem:s7+$0x40] =	vst.add.f32.msk $0xffff, v5  }
0x180: {  	[tilespmem:s7+$0x50] =	vst.add.f32.msk $0xffff, v6  }
0x181: {  	[tilespmem:s7+$0x0] =	vst.add.f32.msk $0xffff, v7  }
0x182: {  	s11 =	simm.s32 $0x0;
	[tilespmem:s7+$0x60] =	vst.add.f32.msk $0xffff, v1;
	s7 =	sadd.s32 $0x400, s15  }
.LBB2_28:
0x183: {  	v1 =	vld.idx.msk [tilespmem:v0+s7+$0x30 ss:$0x1], $0xffff;
	s11 =	sadd.s32 $0x8, s11  }
0x184: {  	v2 =	vld.idx.msk [tilespmem:v0+s7+$0xFFFFFFD0 ss:$0x1], $0xffff;
	p1 =	slt.u32 s11, $0x38  }
0x185: {  	v3 =	vld.idx.msk [tilespmem:v0+s7+$0xFFFFFFE0 ss:$0x1], $0xffff  }
0x186: {  	v4 =	vld.idx.msk [tilespmem:v0+s7+$0xFFFFFFF0 ss:$0x1], $0xffff  }
0x187: {  	s10 =	sadd.s32 $0x400, s10;
	v5 =	vld.idx.msk [tilespmem:v0+s7+$0x0 ss:$0x1], $0xffff  }
0x188: {  	s15 =	sadd.s32 s9, s10;
	v6 =	vld.idx.msk [tilespmem:v0+s7+$0x10 ss:$0x1], $0xffff  }
0x189: {  	[tilespmem:s15+$0x70] =	vst.add.f32.msk $0xffff, v1  }
0x18a: {  	v1 =	vld.idx.msk [tilespmem:v0+s7+$0x20 ss:$0x1], $0xffff  }
0x18b: {  	v7 =	vld.idx.msk [tilespmem:v0+s7+$0xFFFFFFC0 ss:$0x1], $0xffff  }
0x18c: {  	[tilespmem:s15+$0x10] =	vst.add.f32.msk $0xffff, v2  }
0x18d: {  	[tilespmem:s15+$0x20] =	vst.add.f32.msk $0xffff, v3  }
.Ltmp14:
0x18e: {  	[tilespmem:s15+$0x30] =	vst.add.f32.msk $0xffff, v4;
	(pc) =	sbr.rel @p1 .LBB2_28-.Ltmp14, $4  }
0x18f: {  	[tilespmem:s15+$0x40] =	vst.add.f32.msk $0xffff, v5  }
0x190: {  	[tilespmem:s15+$0x50] =	vst.add.f32.msk $0xffff, v6  }
0x191: {  	[tilespmem:s15+$0x0] =	vst.add.f32.msk $0xffff, v7  }
0x192: {  	s7 =	sadd.s32 $0x400, s7;
	[tilespmem:s15+$0x60] =	vst.add.f32.msk $0xffff, v1  }
0x193: {  	s6 =	sadd.s32 $0x1, s6  }
0x194: {  	p1 =	sne.s32 s6, $0x10  }
.Ltmp15:
0x195: {  	_ = 	snop;
	(pc) =	sbr.rel @p1 .LBB2_27-.Ltmp15, $2  }
0x196: {  	_ =	sdelay $0x2  }
0x197: {  	s3 =	sadd.s32 $0x1, s3;
	s12 =	sadd.s32 $0x400, s12  }
0x198: {  	s3 =	sadd.s32 s4, s8  }
0x199: {  	[hbm4b:s3+s5] =	stream.linear.scatter [tilespmem:s18], [sflag:$0x9], $0x4000, $0x38;
	[tilespmem:$0x18000] =	vst v63  }
0x19a: {  	s0 =	sadd.s32 $0x2, s0;
	s7 =	simm.s32 @!p0 $0x8000;
	_ =	swait.ge [sflag:s22], $0x4000  }
0x19b: {  	s3 =	sshll.u32 @!p0 s0, $0xB;
	[sflag:s22] =	ssyncset.done $0x0;
	s6 =	rddreg [dreg:$0x5]  }
0x19c: {  	[sflag:s22] =	ssyncadd.s32 $0xFFFFC000;
	s3 =	sadd.s32 @!p0 s3, s6;
	s6 =	simm.s32 @!p0 $0x0  }
0x19d: {  	[tilespmem:s7], [sflag:$0x3] =	stream.linear.gather @!p0 [hbm4b:s3+s6], $0x4000, $0x38;
	[tilespmem:$0x18000] =	vst v63  }
0x19e: {  	_ =	swait.ge [sflag:s23], $0x4000  }
0x19f: {  	s8 =	simm.s32 $0x0;
	[sflag:s23] =	ssyncset.done $0x0  }
0x1a0: {  	s3 =	simm.s32 $0x0;
	s6 =	simm.s32 $0x0;
	[sflag:s23] =	ssyncadd.s32 $0xFFFFC000  }
.LBB2_31:
0x1a1: {  	s7 =	sand.u32 $0x7, s3  }
0x1a2: {  	s7 =	sshll.u32 s7, $0x9  }
0x1a3: {  	s9 =	sshrl.u32 s7, $0x2  }
0x1a4: {  	v0 =	vmov s9;
	_ =	sdelay $0x2  }
0x1a5: {  	s31 =	sand.u32 $0x3FFFE000, s8  }
0x1a6: {  	s12 =	sadd.s32 $0x4040, s31  }
0x1a7: {  	v1 =	vld.idx.msk [tilespmem:v0+s12+$0x30 ss:$0x1], $0xffff  }
0x1a8: {  	v2 =	vld.idx.msk [tilespmem:v0+s12+$0xFFFFFFD0 ss:$0x1], $0xffff  }
0x1a9: {  	v3 =	vld.idx.msk [tilespmem:v0+s12+$0xFFFFFFE0 ss:$0x1], $0xffff  }
0x1aa: {  	v4 =	vld.idx.msk [tilespmem:v0+s12+$0xFFFFFFF0 ss:$0x1], $0xffff  }
0x1ab: {  	v5 =	vld.idx.msk [tilespmem:v0+s12+$0x0 ss:$0x1], $0xffff  }
0x1ac: {  	s10 =	sadd.s32 $0x14000, s31;
	v6 =	vld.idx.msk [tilespmem:v0+s12+$0x10 ss:$0x1], $0xffff  }
0x1ad: {  	s7 =	sadd.s32 s9, s10;
	v7 =	vld.idx.msk [tilespmem:v0+s12+$0xFFFFFFC0 ss:$0x1], $0xffff  }
0x1ae: {  	[tilespmem:s7+$0x70] =	vst.add.f32.msk $0xffff, v1  }
0x1af: {  	v1 =	vld.idx.msk [tilespmem:v0+s12+$0x20 ss:$0x1], $0xffff  }
0x1b0: {  	[tilespmem:s7+$0x10] =	vst.add.f32.msk $0xffff, v2  }
0x1b1: {  	[tilespmem:s7+$0x20] =	vst.add.f32.msk $0xffff, v3  }
0x1b2: {  	[tilespmem:s7+$0x30] =	vst.add.f32.msk $0xffff, v4  }
0x1b3: {  	[tilespmem:s7+$0x40] =	vst.add.f32.msk $0xffff, v5  }
0x1b4: {  	[tilespmem:s7+$0x50] =	vst.add.f32.msk $0xffff, v6  }
0x1b5: {  	[tilespmem:s7+$0x0] =	vst.add.f32.msk $0xffff, v7  }
0x1b6: {  	s11 =	simm.s32 $0x0;
	[tilespmem:s7+$0x60] =	vst.add.f32.msk $0xffff, v1;
	s7 =	sadd.s32 $0x400, s12  }
.LBB2_32:
0x1b7: {  	v1 =	vld.idx.msk [tilespmem:v0+s7+$0x30 ss:$0x1], $0xffff;
	s11 =	sadd.s32 $0x8, s11  }
0x1b8: {  	v2 =	vld.idx.msk [tilespmem:v0+s7+$0xFFFFFFD0 ss:$0x1], $0xffff;
	p1 =	slt.u32 s11, $0x38  }
0x1b9: {  	v3 =	vld.idx.msk [tilespmem:v0+s7+$0xFFFFFFE0 ss:$0x1], $0xffff  }
0x1ba: {  	v4 =	vld.idx.msk [tilespmem:v0+s7+$0xFFFFFFF0 ss:$0x1], $0xffff  }
0x1bb: {  	s10 =	sadd.s32 $0x400, s10;
	v5 =	vld.idx.msk [tilespmem:v0+s7+$0x0 ss:$0x1], $0xffff  }
0x1bc: {  	s12 =	sadd.s32 s9, s10;
	v6 =	vld.idx.msk [tilespmem:v0+s7+$0x10 ss:$0x1], $0xffff  }
0x1bd: {  	[tilespmem:s12+$0x70] =	vst.add.f32.msk $0xffff, v1  }
0x1be: {  	v1 =	vld.idx.msk [tilespmem:v0+s7+$0x20 ss:$0x1], $0xffff  }
0x1bf: {  	v7 =	vld.idx.msk [tilespmem:v0+s7+$0xFFFFFFC0 ss:$0x1], $0xffff  }
0x1c0: {  	[tilespmem:s12+$0x10] =	vst.add.f32.msk $0xffff, v2  }
0x1c1: {  	[tilespmem:s12+$0x20] =	vst.add.f32.msk $0xffff, v3  }
.Ltmp16:
0x1c2: {  	[tilespmem:s12+$0x30] =	vst.add.f32.msk $0xffff, v4;
	(pc) =	sbr.rel @p1 .LBB2_32-.Ltmp16, $4  }
0x1c3: {  	[tilespmem:s12+$0x40] =	vst.add.f32.msk $0xffff, v5  }
0x1c4: {  	[tilespmem:s12+$0x50] =	vst.add.f32.msk $0xffff, v6  }
0x1c5: {  	[tilespmem:s12+$0x0] =	vst.add.f32.msk $0xffff, v7  }
0x1c6: {  	s7 =	sadd.s32 $0x400, s7;
	[tilespmem:s12+$0x60] =	vst.add.f32.msk $0xffff, v1  }
0x1c7: {  	s6 =	sadd.s32 $0x1, s6  }
0x1c8: {  	p1 =	sne.s32 s6, $0x10  }
.Ltmp17:
0x1c9: {  	_ = 	snop;
	(pc) =	sbr.rel @p1 .LBB2_31-.Ltmp17, $2  }
0x1ca: {  	_ =	sdelay $0x2  }
0x1cb: {  	s3 =	sadd.s32 $0x1, s3;
	s8 =	sadd.s32 $0x400, s8  }
.Ltmp18:
0x1cc: {  	s1 =	sadd.s32 s4, s1;
	(pc) =	sbr.rel @p0 .LBB2_36-.Ltmp18, $4  }
0x1cd: {  	[hbm4b:s1+s5] =	stream.linear.scatter [tilespmem:s20], [sflag:$0xA], $0x4000, $0x38;
	[tilespmem:$0x18000] =	vst v63  }
0x1ce: {  	_ =	swait.ge [sflag:s24], $0x4000  }
0x1cf: {  	[sflag:s24] =	ssyncset.done $0x0  }
0x1d0: {  	[sflag:s24] =	ssyncadd.s32 $0xFFFFC000  }
.Ltmp19:
0x1d1: {  	(pc) =	sbr.rel .LBB2_2-.Ltmp19, $4  }
0x1d2: {  	_ = 	snop  }
0x1d3: {  	s0 =	sshll.u32 s0, $0xB;
	s1 =	rddreg [dreg:$0x7]  }
0x1d4: {  	s30 =	sadd.s32 $0x1, s30;
	s0 =	sadd.s32 s0, s1  }
0x1d5: {  	[tilespmem:s14], [sflag:$0x4] =	stream.linear.gather [hbm4b:s0+s5], $0x4000, $0x38;
	[tilespmem:$0x18000] =	vst v63  }
.LBB2_37:
0x1d6: {  	_ =	sfence.sel $0x180000  }
0x1d7: {  	[bflag:$0x0] =	sbarrier.arrive $0xFFFF  }
0x1d8: {  	_ =	strace $0x90000047  }
0x1d9: {  	s0 =	stileid.u32;
	[bflag:$0x2] =	sbarrier.arrive $0xFFFF  }
0x1da: {  	p0 =	sne.s32 s0, $0x0;
	s0 =	rddreg [dreg:$0x3]  }
0x1db: {  	s0 =	sadd.s32 @!p0 $0x100000, s0  }
0x1dc: {  	[sflag:s0] =	ssyncadd.tile.s32 @!p0 $0x1;
	_ =	shalt  }
.Lfunc_end2:
_tile_overlayer_lowered:
.L_overlay_start_2:
0x1dd: {  	(tag) =	ssettag $0x2  }
0x1de: {  	s0 =	rddreg [dreg:$0x0];
	s2 =	stileid.u32  }
0x1df: {  	s1 =	rddreg [dreg:$0x1];
	p0 =	sne.s32 s2, $0x0  }
0x1e0: {  	s3 =	rddreg [dreg:$0x2];
	[bflag:$0x3] =	sbarrier.arrive $0xFFFF;
	s2 =	simm.s32 @!p0 $0x1C0B  }
0x1e1: {  	[timem:s3], [sflag:s2] =	dma.local @!p0 [hbm:s0], s1  }
0x1e2: {  	s0 =	simm.s32 @!p0 $0xB  }
0x1e3: {  	_ =	swait.ge @!p0 [sflag:s0], s1  }
0x1e4: {  	s1 =	ssub.s32 @!p0 $0x0, s1;
	[sflag:s0] =	ssyncset.done @!p0 $0x0  }
0x1e5: {  	[sflag:s0] =	ssyncadd.s32 @!p0 s1  }
0x1e6: {  	[bflag:$0x3] =	sbarrier.arrive $0xFFFF  }
0x1e7: {  	_ =	shalt  }

</sc_bundles>
